<compile_context>
chip_gen: v7x
topology: tpu7x:2x2x1
jax: 0.10.2.dev20260603
libtpu: 0.0.44.dev20260713+nightly
codegen_flags: <defaults>
</compile_context>

<pallas_src>
import functools

import numpy as np

import jax
import jax.numpy as jnp
from jax import lax
from jax.experimental import pallas as pl
from jax.experimental.pallas import tpu as pltpu
from jax.experimental.pallas import tpu_sc as plsc

NUM_BINS = 100
NPAD = 112
CPAD = 128
BATCH = 128
MIN_T = 0.001
MAX_T = 1.0
L = 16
NCH = NPAD // L
NEG = -1e30
BIG = 1e30
NW = 8

_OFF_U = NPAD
_OFF_S = 2 * NPAD

_S_BITS = np.array([
    0x3efa3824, 0x3f2e0730, 0x3f1dc3f8, 0x3f0f9ec0, 0x3ee6bae4, 0x3f15fb4e, 0x3d9935b0, 0x3f466f24,
    0x3f32eefe, 0x3f5191fa, 0x3eb35b34, 0x3f5f7122, 0x3f6d0690, 0x3f5c3186, 0x3ef481f8, 0x3f518806,
    0x3f361b54, 0x3f1631ca, 0x3d9703a0, 0x3f471240, 0x3ecf2338, 0x3df3f6e0, 0x3cd71600, 0x3f23a138,
    0x3ecf38ec, 0x3f634990, 0x3da6dc10, 0x3e97c260, 0x3f1b4f5c, 0x3f70302a, 0x3f4189bc, 0x3eead204,
    0x3e9d8e3c, 0x3f40380c, 0x3f0b4c42, 0x3eba6010, 0x3f2ce7b2, 0x3f1711b6, 0x3e93d6d0, 0x3e412450,
    0x3ed4b840, 0x3f1ef770, 0x3ed9fb2c, 0x3f098c88, 0x3f25501c, 0x3e14b138, 0x3f2c2544, 0x3f631348,
    0x3f2af5d6, 0x3e769140, 0x3f11ec00, 0x3ed7adb8, 0x3ed3ccf4, 0x3f6690da, 0x3f2573f2, 0x3edbd14c,
    0x3ecf7c6c, 0x3eae93b8, 0x3f24ab02, 0x3f61efa4, 0x3e191be0, 0x3e5aa1f0, 0x3f5ae7cc, 0x3eb79d1c,
    0x3ef4bf54, 0x3ca44d40, 0x3f6eee52, 0x3d930c30, 0x3f083a32, 0x3e5172b8, 0x3ee7f05c, 0x3e3bd528,
    0x3f36ac6c, 0x3e17ac48, 0x3db9e640, 0x3f72fca6, 0x3f045652, 0x3ddc70f0, 0x3eda1734, 0x3f3ac584,
    0x3ecc8034, 0x3f689186, 0x3f5a9860, 0x3f56f052, 0x3cc87780, 0x3e992688, 0x3c26f380, 0x3f5d0506,
    0x3f7dee16, 0x3f44c462, 0x3f44681a, 0x3e3bd500, 0x3e94b2d4, 0x3f2b92a6, 0x3ea90620, 0x3f6451a6,
    0x3edc8288, 0x3f1182aa, 0x3f1c7526, 0x3e223360, 0x3f07d786, 0x3f4a7074, 0x3ed5054c, 0x3caf2880,
    0x3f368b9e, 0x3f4ed8ba, 0x3efa4d20, 0x3d8cd710, 0x3e77c0c0, 0x3e163120, 0x3f2b67bc, 0x3f423864,
    0x3eb1f33c, 0x3f5b891c, 0x3f0df940, 0x3ea6fe34, 0x3f178956, 0x3f2324d8, 0x3f39bc0a, 0x3eb5dc38,
    0x3ebdbbb4, 0x3ed91b50, 0x3ee23238, 0x3f2f9210, 0x3f69ee9e, 0x3c82e500, 0x3f2b947c, 0x3f3c2152,
], dtype=np.uint32)
_S_CONST = _S_BITS.view(np.float32)
_PAD12 = np.full((NPAD - NUM_BINS,), NEG, dtype=np.float32)


def _softmax_chunks(buf_v, off):
    chunks = [buf_v[pl.ds(off + L * i, L)] for i in range(NCH)]
    m = chunks[0]
    for c in chunks[1:]:
        m = jnp.maximum(m, c)
    ms = plsc.cummax(m)[L - 1]
    es = [jnp.exp(c - ms) for c in chunks]
    acc = es[0]
    for e in es[1:]:
        acc = acc + e
    tot = plsc.cumsum(acc)[L - 1]
    return [e / tot for e in es]


def _cumsum_chunks(ws, out_v):
    carry = jnp.float32(0.0)
    for i, w in enumerate(ws):
        cs = plsc.cumsum(w) + carry
        out_v[pl.ds(L * i, L)] = cs
        carry = cs[L - 1]


def _sc_body(buf_hbm, t_out, w_out, buf_v, tsum_v, cdf_v, to_v, wo_v):
    cid = lax.axis_index("c")
    sid = lax.axis_index("s")

    @pl.when(sid < NW)
    def _work():
        wid = sid + cid * NW
        base = wid * L

        pltpu.sync_copy(buf_hbm.at[pl.ds(0, _OFF_S)], buf_v.at[pl.ds(0, _OFF_S)])
        pltpu.sync_copy(buf_hbm.at[pl.ds(_OFF_S + base, L)],
                        buf_v.at[pl.ds(_OFF_S, L)])

        wt = _softmax_chunks(buf_v, 0)
        rs = jnp.float32(1.0 / (1.0 + 1e-4 * NUM_BINS))
        wt = [(w + 1e-4) * rs for w in wt]
        _cumsum_chunks(wt, tsum_v)

        wu = _softmax_chunks(buf_v, _OFF_U)
        _cumsum_chunks(wu, cdf_v)
        cdf_v[pl.ds(NPAD, L)] = jnp.full((L,), BIG, dtype=jnp.float32)

        s = buf_v[pl.ds(_OFF_S, L)]

        lo = jnp.zeros((L,), dtype=jnp.int32)
        for b in (64, 32, 16, 8, 4, 2, 1):
            cv = plsc.load_gather(cdf_v, [lo + (b - 1)])
            lo = lo + jnp.where(cv < s, b, 0)
        idx = jnp.minimum(lo, NUM_BINS - 1)

        t = plsc.load_gather(tsum_v, [idx])
        to_v[...] = MIN_T + (MAX_T - MIN_T) * t
        wo_v[...] = jnp.full((L,), 1.0, dtype=jnp.float32)
        pltpu.sync_copy(to_v, t_out.at[pl.ds(base, L)])
        pltpu.sync_copy(wo_v, w_out.at[pl.ds(base, L)])


@functools.lru_cache(maxsize=None)
def _sc_sampler():
    return pl.kernel(
        _sc_body,
        out_type=(
            jax.ShapeDtypeStruct((BATCH,), jnp.float32),
            jax.ShapeDtypeStruct((BATCH,), jnp.float32),
        ),
        mesh=plsc.VectorSubcoreMesh(core_axis_name="c", subcore_axis_name="s",
                                    num_cores=1, num_subcores=16),
        compiler_params=pltpu.CompilerParams(needs_layout_passes=False),
        scratch_types=[
            pltpu.VMEM((2 * NPAD + L,), jnp.float32),
            pltpu.VMEM((CPAD,), jnp.float32),
            pltpu.VMEM((CPAD,), jnp.float32),
            pltpu.VMEM((L,), jnp.float32),
            pltpu.VMEM((L,), jnp.float32),
        ],
    )


def kernel(x0, t_bins, u_bins):
    batch = x0.shape[0]
    buf = jnp.concatenate([
        t_bins.astype(jnp.float32), jnp.asarray(_PAD12),
        u_bins.astype(jnp.float32), jnp.asarray(_PAD12),
        jnp.asarray(_S_CONST),
    ])
    t_scaled, weights = _sc_sampler()(buf)
    dt = x0.dtype
    return (t_scaled.astype(dt), weights.astype(dt))

# --- scband reference (transcript-rebuilt; emitter-appended) ---
"""Pipeline reference for scband-time-warp-sampler-79637283602451 (READ-ONLY COPY).

The authoritative reference and input builder live on the scoring server;
editing this copy changes nothing except your own understanding.
"""

import jax, jax.numpy as jnp
import numpy as np

NUM_BINS = 100
MIN_T = 0.001
MAX_T = 1.0
BATCH = 128

def setup_inputs(seed: int = 0) -> dict:
    key = jax.random.key(seed)
    k1, k2, k3 = jax.random.split(key, 3)
    x0 = jax.random.normal(k1, (BATCH, 32768), dtype=jnp.float32)
    t_bins = jax.random.normal(k2, (NUM_BINS,), dtype=jnp.float32) * 0.1
    u_bins = jax.random.normal(k3, (NUM_BINS,), dtype=jnp.float32) * 0.1
    return {"x0": x0, "t_bins": t_bins, "u_bins": u_bins}

def reference(x0, t_bins, u_bins):
    # Warmed-up sampling path of TimeWarpSampler.forward
    w_t = jax.nn.softmax(t_bins, axis=-1)
    w_t = (w_t + 0.0001) / (1.0 + 0.0001 * NUM_BINS)
    t_sum = jnp.cumsum(w_t, axis=-1)
    w_u = jax.nn.softmax(u_bins + 0.0001, axis=-1)
    cdf = jnp.cumsum(w_u, axis=-1)
    # internal randomness made deterministic with a fixed key
    s = jax.random.uniform(jax.random.key(42), (x0.shape[0],), dtype=jnp.float32)
    indices = jnp.clip(jnp.sum((cdf[None, :] < s[:, None]).astype(jnp.int32), axis=-1), 0, s.shape[0] - 1)
    t = jnp.take(t_sum, indices, axis=0).astype(x0.dtype)
    # num_timesteps != -1, so no continuous-time jitter branch
    # importance_sampling=True: p = (w_t / w_t)[indices] == 1, weights = 1 / p
    p = jnp.take(w_t / w_t, indices, axis=0).astype(x0.dtype)
    weights = 1.0 / p
    t_scaled = MIN_T + (MAX_T - MIN_T) * t
    return (t_scaled, weights)

if __name__ == "__main__":
    import jax
    _d = setup_inputs()
    print(jax.jit(kernel)(*tuple(_d.values())))

</pallas_src>

<mosaic_0001>
#map = affine_map<(d0, d1) -> (0)>
module attributes {stable_mosaic.version = 14 : i64} {
  func.func @_sc_body(%arg0: i32, %arg1: i32, %arg2: memref<352xf32, #tpu.memory_space<hbm>>, %arg3: memref<128xf32, #tpu.memory_space<hbm>>, %arg4: memref<128xf32, #tpu.memory_space<hbm>>, %arg5: memref<240xf32, #tpu.memory_space<vmem>>, %arg6: memref<128xf32, #tpu.memory_space<vmem>>, %arg7: memref<128xf32, #tpu.memory_space<vmem>>, %arg8: memref<16xf32, #tpu.memory_space<vmem>>, %arg9: memref<16xf32, #tpu.memory_space<vmem>>) attributes {dimension_semantics = [#tpu.dimension_semantics<core_parallel>, #tpu.dimension_semantics<subcore_parallel>], iteration_bounds = array<i64: 1, 16>, scalar_prefetch = 0 : i64, scratch_operands = 5 : i64, tpu.core_type = #tpu.core_type<sc_vector_subcore>, window_params = [{transform_indices = #map}, {transform_indices = #map}, {transform_indices = #map}]} {
    %lt3A = arith.constant 8 : i32
    %lt3A_0 = arith.cmpi slt, %arg1, %lt3A : i32
    %convert_element_type3A = arith.extui %lt3A_0 : i1 to i32
    %cond3A = arith.constant 0 : i32
    %cond3A_1 = arith.cmpi ne, %convert_element_type3A, %cond3A : i32
    scf.if %cond3A_1 {
      %mul3A = arith.constant 8 : i32
      %mul3A_2 = arith.muli %arg0, %mul3A : i32
      %add3A = arith.addi %arg1, %mul3A_2 : i32
      %mul3A_3 = arith.constant 16 : i32
      %mul3A_4 = arith.muli %add3A, %mul3A_3 : i32
      "tpu.region"() ({
        %run_scoped3A = tpu.sem_alloc : memref<!tpu.dma_semaphore, #tpu.memory_space<semaphore_mem>>
        %dma_start3A = arith.constant 0 : i32
        %dma_start3A_405 = tpu.memref_slice %arg5[%dma_start3A] : memref<240xf32, #tpu.memory_space<vmem>> -> memref<224xf32, #tpu.memory_space<vmem>>
        %dma_start3A_406 = arith.constant 0 : i32
        %dma_start3A_407 = tpu.memref_slice %arg2[%dma_start3A_406] : memref<352xf32, #tpu.memory_space<hbm>> -> memref<224xf32, #tpu.memory_space<hbm>>
        %dma_start3A_408 = arith.constant 0 : i32
        %dma_start3A_409 = tpu.memref_slice %arg5[%dma_start3A_408] : memref<240xf32, #tpu.memory_space<vmem>> -> memref<224xf32, #tpu.memory_space<vmem>>
        %dma_start3A_410 = arith.constant 0 : i32
        %dma_start3A_411 = tpu.memref_slice %arg2[%dma_start3A_410] : memref<352xf32, #tpu.memory_space<hbm>> -> memref<224xf32, #tpu.memory_space<hbm>>
        tpu.enqueue_dma source(%dma_start3A_411 : memref<224xf32, #tpu.memory_space<hbm>>) target(%dma_start3A_409 : memref<224xf32, #tpu.memory_space<vmem>>) target_semaphore(%run_scoped3A : memref<!tpu.dma_semaphore, #tpu.memory_space<semaphore_mem>>)
        %dma_wait3A = arith.constant 0 : i32
        %dma_wait3A_412 = tpu.memref_slice %arg5[%dma_wait3A] : memref<240xf32, #tpu.memory_space<vmem>> -> memref<224xf32, #tpu.memory_space<vmem>>
        %dma_wait3A_413 = arith.constant 0 : i32
        %dma_wait3A_414 = tpu.memref_slice %arg2[%dma_wait3A_413] : memref<352xf32, #tpu.memory_space<hbm>> -> memref<224xf32, #tpu.memory_space<hbm>>
        %dma_wait3A_415 = arith.constant 0 : i32
        %dma_wait3A_416 = tpu.memref_slice %arg5[%dma_wait3A_415] : memref<240xf32, #tpu.memory_space<vmem>> -> memref<224xf32, #tpu.memory_space<vmem>>
        %dma_wait3A_417 = arith.constant 0 : i32
        %dma_wait3A_418 = tpu.memref_slice %arg2[%dma_wait3A_417] : memref<352xf32, #tpu.memory_space<hbm>> -> memref<224xf32, #tpu.memory_space<hbm>>
        tpu.wait_dma2 semaphore(%run_scoped3A : memref<!tpu.dma_semaphore, #tpu.memory_space<semaphore_mem>>) src(%dma_wait3A_418 : memref<224xf32, #tpu.memory_space<hbm>>) dst(%dma_wait3A_416 : memref<224xf32, #tpu.memory_space<vmem>>)
        tpu.yield
      }) : () -> ()
      %add3A_5 = arith.constant 224 : i32
      %add3A_6 = arith.addi %add3A_5, %mul3A_4 : i32
      "tpu.region"() ({
        %run_scoped3A = tpu.sem_alloc : memref<!tpu.dma_semaphore, #tpu.memory_space<semaphore_mem>>
        %dma_start3A = arith.constant 224 : i32
        %dma_start3A_405 = tpu.memref_slice %arg5[%dma_start3A] : memref<240xf32, #tpu.memory_space<vmem>> -> memref<16xf32, #tpu.memory_space<vmem>>
        %dma_start3A_406 = tpu.memref_slice %arg2[%add3A_6] : memref<352xf32, #tpu.memory_space<hbm>> -> memref<16xf32, #tpu.memory_space<hbm>>
        %dma_start3A_407 = arith.constant 224 : i32
        %dma_start3A_408 = tpu.memref_slice %arg5[%dma_start3A_407] : memref<240xf32, #tpu.memory_space<vmem>> -> memref<16xf32, #tpu.memory_space<vmem>>
        %dma_start3A_409 = tpu.memref_slice %arg2[%add3A_6] : memref<352xf32, #tpu.memory_space<hbm>> -> memref<16xf32, #tpu.memory_space<hbm>>
        tpu.enqueue_dma source(%dma_start3A_409 : memref<16xf32, #tpu.memory_space<hbm>>) target(%dma_start3A_408 : memref<16xf32, #tpu.memory_space<vmem>>) target_semaphore(%run_scoped3A : memref<!tpu.dma_semaphore, #tpu.memory_space<semaphore_mem>>)
        %dma_wait3A = arith.constant 224 : i32
        %dma_wait3A_410 = tpu.memref_slice %arg5[%dma_wait3A] : memref<240xf32, #tpu.memory_space<vmem>> -> memref<16xf32, #tpu.memory_space<vmem>>
        %dma_wait3A_411 = tpu.memref_slice %arg2[%add3A_6] : memref<352xf32, #tpu.memory_space<hbm>> -> memref<16xf32, #tpu.memory_space<hbm>>
        %dma_wait3A_412 = arith.constant 224 : i32
        %dma_wait3A_413 = tpu.memref_slice %arg5[%dma_wait3A_412] : memref<240xf32, #tpu.memory_space<vmem>> -> memref<16xf32, #tpu.memory_space<vmem>>
        %dma_wait3A_414 = tpu.memref_slice %arg2[%add3A_6] : memref<352xf32, #tpu.memory_space<hbm>> -> memref<16xf32, #tpu.memory_space<hbm>>
        tpu.wait_dma2 semaphore(%run_scoped3A : memref<!tpu.dma_semaphore, #tpu.memory_space<semaphore_mem>>) src(%dma_wait3A_414 : memref<16xf32, #tpu.memory_space<hbm>>) dst(%dma_wait3A_413 : memref<16xf32, #tpu.memory_space<vmem>>)
        tpu.yield
      }) : () -> ()
      %get3A = arith.constant 0 : index
      %get3A_7 = tpu.vector_load %arg5[%get3A] {strides = array<i32>} : memref<240xf32, #tpu.memory_space<vmem>>, vector<16xf32>,
      %get3A_8 = arith.constant 16 : index
      %get3A_9 = tpu.vector_load %arg5[%get3A_8] {strides = array<i32>} : memref<240xf32, #tpu.memory_space<vmem>>, vector<16xf32>,
      %get3A_10 = arith.constant 32 : index
      %get3A_11 = tpu.vector_load %arg5[%get3A_10] {strides = array<i32>} : memref<240xf32, #tpu.memory_space<vmem>>, vector<16xf32>,
      %get3A_12 = arith.constant 48 : index
      %get3A_13 = tpu.vector_load %arg5[%get3A_12] {strides = array<i32>} : memref<240xf32, #tpu.memory_space<vmem>>, vector<16xf32>,
      %get3A_14 = arith.constant 64 : index
      %get3A_15 = tpu.vector_load %arg5[%get3A_14] {strides = array<i32>} : memref<240xf32, #tpu.memory_space<vmem>>, vector<16xf32>,
      %get3A_16 = arith.constant 80 : index
      %get3A_17 = tpu.vector_load %arg5[%get3A_16] {strides = array<i32>} : memref<240xf32, #tpu.memory_space<vmem>>, vector<16xf32>,
      %get3A_18 = arith.constant 96 : index
      %get3A_19 = tpu.vector_load %arg5[%get3A_18] {strides = array<i32>} : memref<240xf32, #tpu.memory_space<vmem>>, vector<16xf32>,
      %max3A = arith.maximumf %get3A_7, %get3A_9 : vector<16xf32>
      %max3A_20 = arith.maximumf %max3A, %get3A_11 : vector<16xf32>
      %max3A_21 = arith.maximumf %max3A_20, %get3A_13 : vector<16xf32>
      %max3A_22 = arith.maximumf %max3A_21, %get3A_15 : vector<16xf32>
      %max3A_23 = arith.maximumf %max3A_22, %get3A_17 : vector<16xf32>
      %max3A_24 = arith.maximumf %max3A_23, %get3A_19 : vector<16xf32>
      %broadcast_in_dim3A = arith.constant true
      %broadcast_in_dim3A_25 = vector.broadcast %broadcast_in_dim3A : i1 to vector<16xi1>
      %masked_cummax3A = tpu.scan <max>, %max3A_24 masked %broadcast_in_dim3A_25 : vector<16xf32>, vector<16xi1> -> vector<16xf32>
      %slice3A = vector.extract_strided_slice %masked_cummax3A {offsets = [15], sizes = [1], strides = [1]} : vector<16xf32> to vector<1xf32>
      %squeeze3A = vector.extract %slice3A[0] : f32 from vector<1xf32>
      %sub3A = vector.broadcast %squeeze3A : f32 to vector<16xf32>
      %sub3A_26 = arith.subf %get3A_7, %sub3A : vector<16xf32>
      %exp3A = math.exp %sub3A_26 : vector<16xf32>
      %sub3A_27 = vector.broadcast %squeeze3A : f32 to vector<16xf32>
      %sub3A_28 = arith.subf %get3A_9, %sub3A_27 : vector<16xf32>
      %exp3A_29 = math.exp %sub3A_28 : vector<16xf32>
      %sub3A_30 = vector.broadcast %squeeze3A : f32 to vector<16xf32>
      %sub3A_31 = arith.subf %get3A_11, %sub3A_30 : vector<16xf32>
      %exp3A_32 = math.exp %sub3A_31 : vector<16xf32>
      %sub3A_33 = vector.broadcast %squeeze3A : f32 to vector<16xf32>
      %sub3A_34 = arith.subf %get3A_13, %sub3A_33 : vector<16xf32>
      %exp3A_35 = math.exp %sub3A_34 : vector<16xf32>
      %sub3A_36 = vector.broadcast %squeeze3A : f32 to vector<16xf32>
      %sub3A_37 = arith.subf %get3A_15, %sub3A_36 : vector<16xf32>
      %exp3A_38 = math.exp %sub3A_37 : vector<16xf32>
      %sub3A_39 = vector.broadcast %squeeze3A : f32 to vector<16xf32>
      %sub3A_40 = arith.subf %get3A_17, %sub3A_39 : vector<16xf32>
      %exp3A_41 = math.exp %sub3A_40 : vector<16xf32>
      %sub3A_42 = vector.broadcast %squeeze3A : f32 to vector<16xf32>
      %sub3A_43 = arith.subf %get3A_19, %sub3A_42 : vector<16xf32>
      %exp3A_44 = math.exp %sub3A_43 : vector<16xf32>
      %add3A_45 = arith.addf %exp3A, %exp3A_29 : vector<16xf32>
      %add3A_46 = arith.addf %add3A_45, %exp3A_32 : vector<16xf32>
      %add3A_47 = arith.addf %add3A_46, %exp3A_35 : vector<16xf32>
      %add3A_48 = arith.addf %add3A_47, %exp3A_38 : vector<16xf32>
      %add3A_49 = arith.addf %add3A_48, %exp3A_41 : vector<16xf32>
      %add3A_50 = arith.addf %add3A_49, %exp3A_44 : vector<16xf32>
      %broadcast_in_dim3A_51 = arith.constant true
      %broadcast_in_dim3A_52 = vector.broadcast %broadcast_in_dim3A_51 : i1 to vector<16xi1>
      %masked_cumsum3A = tpu.scan <sum>, %add3A_50 masked %broadcast_in_dim3A_52 : vector<16xf32>, vector<16xi1> -> vector<16xf32>
      %slice3A_53 = vector.extract_strided_slice %masked_cumsum3A {offsets = [15], sizes = [1], strides = [1]} : vector<16xf32> to vector<1xf32>
      %squeeze3A_54 = vector.extract %slice3A_53[0] : f32 from vector<1xf32>
      %div3A = vector.broadcast %squeeze3A_54 : f32 to vector<16xf32>
      %div3A_55 = arith.divf %exp3A, %div3A : vector<16xf32>
      %div3A_56 = vector.broadcast %squeeze3A_54 : f32 to vector<16xf32>
      %div3A_57 = arith.divf %exp3A_29, %div3A_56 : vector<16xf32>
      %div3A_58 = vector.broadcast %squeeze3A_54 : f32 to vector<16xf32>
      %div3A_59 = arith.divf %exp3A_32, %div3A_58 : vector<16xf32>
      %div3A_60 = vector.broadcast %squeeze3A_54 : f32 to vector<16xf32>
      %div3A_61 = arith.divf %exp3A_35, %div3A_60 : vector<16xf32>
      %div3A_62 = vector.broadcast %squeeze3A_54 : f32 to vector<16xf32>
      %div3A_63 = arith.divf %exp3A_38, %div3A_62 : vector<16xf32>
      %div3A_64 = vector.broadcast %squeeze3A_54 : f32 to vector<16xf32>
      %div3A_65 = arith.divf %exp3A_41, %div3A_64 : vector<16xf32>
      %div3A_66 = vector.broadcast %squeeze3A_54 : f32 to vector<16xf32>
      %div3A_67 = arith.divf %exp3A_44, %div3A_66 : vector<16xf32>
      %add3A_68 = arith.constant 9.99999974E-5 : f32
      %add3A_69 = vector.broadcast %add3A_68 : f32 to vector<16xf32>
      %add3A_70 = arith.addf %div3A_55, %add3A_69 : vector<16xf32>
      %mul3A_71 = arith.constant 9.900990e-01 : f32
      %mul3A_72 = vector.broadcast %mul3A_71 : f32 to vector<16xf32>
      %mul3A_73 = arith.mulf %add3A_70, %mul3A_72 : vector<16xf32>
      %add3A_74 = arith.constant 9.99999974E-5 : f32
      %add3A_75 = vector.broadcast %add3A_74 : f32 to vector<16xf32>
      %add3A_76 = arith.addf %div3A_57, %add3A_75 : vector<16xf32>
      %mul3A_77 = arith.constant 9.900990e-01 : f32
      %mul3A_78 = vector.broadcast %mul3A_77 : f32 to vector<16xf32>
      %mul3A_79 = arith.mulf %add3A_76, %mul3A_78 : vector<16xf32>
      %add3A_80 = arith.constant 9.99999974E-5 : f32
      %add3A_81 = vector.broadcast %add3A_80 : f32 to vector<16xf32>
      %add3A_82 = arith.addf %div3A_59, %add3A_81 : vector<16xf32>
      %mul3A_83 = arith.constant 9.900990e-01 : f32
      %mul3A_84 = vector.broadcast %mul3A_83 : f32 to vector<16xf32>
      %mul3A_85 = arith.mulf %add3A_82, %mul3A_84 : vector<16xf32>
      %add3A_86 = arith.constant 9.99999974E-5 : f32
      %add3A_87 = vector.broadcast %add3A_86 : f32 to vector<16xf32>
      %add3A_88 = arith.addf %div3A_61, %add3A_87 : vector<16xf32>
      %mul3A_89 = arith.constant 9.900990e-01 : f32
      %mul3A_90 = vector.broadcast %mul3A_89 : f32 to vector<16xf32>
      %mul3A_91 = arith.mulf %add3A_88, %mul3A_90 : vector<16xf32>
      %add3A_92 = arith.constant 9.99999974E-5 : f32
      %add3A_93 = vector.broadcast %add3A_92 : f32 to vector<16xf32>
      %add3A_94 = arith.addf %div3A_63, %add3A_93 : vector<16xf32>
      %mul3A_95 = arith.constant 9.900990e-01 : f32
      %mul3A_96 = vector.broadcast %mul3A_95 : f32 to vector<16xf32>
      %mul3A_97 = arith.mulf %add3A_94, %mul3A_96 : vector<16xf32>
      %add3A_98 = arith.constant 9.99999974E-5 : f32
      %add3A_99 = vector.broadcast %add3A_98 : f32 to vector<16xf32>
      %add3A_100 = arith.addf %div3A_65, %add3A_99 : vector<16xf32>
      %mul3A_101 = arith.constant 9.900990e-01 : f32
      %mul3A_102 = vector.broadcast %mul3A_101 : f32 to vector<16xf32>
      %mul3A_103 = arith.mulf %add3A_100, %mul3A_102 : vector<16xf32>
      %add3A_104 = arith.constant 9.99999974E-5 : f32
      %add3A_105 = vector.broadcast %add3A_104 : f32 to vector<16xf32>
      %add3A_106 = arith.addf %div3A_67, %add3A_105 : vector<16xf32>
      %mul3A_107 = arith.constant 9.900990e-01 : f32
      %mul3A_108 = vector.broadcast %mul3A_107 : f32 to vector<16xf32>
      %mul3A_109 = arith.mulf %add3A_106, %mul3A_108 : vector<16xf32>
      %broadcast_in_dim3A_110 = arith.constant true
      %broadcast_in_dim3A_111 = vector.broadcast %broadcast_in_dim3A_110 : i1 to vector<16xi1>
      %masked_cumsum3A_112 = tpu.scan <sum>, %mul3A_73 masked %broadcast_in_dim3A_111 : vector<16xf32>, vector<16xi1> -> vector<16xf32>
      %add3A_113 = arith.constant 0.000000e+00 : f32
      %add3A_114 = vector.broadcast %add3A_113 : f32 to vector<16xf32>
      %add3A_115 = arith.addf %masked_cumsum3A_112, %add3A_114 : vector<16xf32>
      %swap3A = arith.constant 0 : index
      %swap3A_116 = tpu.vector_load %arg6[%swap3A] {strides = array<i32>} : memref<128xf32, #tpu.memory_space<vmem>>, vector<16xf32>,
      tpu.vector_store %arg6[%swap3A], %add3A_115 {strides = array<i32>} : memref<128xf32, #tpu.memory_space<vmem>>, vector<16xf32>,
      %slice3A_117 = vector.extract_strided_slice %add3A_115 {offsets = [15], sizes = [1], strides = [1]} : vector<16xf32> to vector<1xf32>
      %squeeze3A_118 = vector.extract %slice3A_117[0] : f32 from vector<1xf32>
      %broadcast_in_dim3A_119 = arith.constant true
      %broadcast_in_dim3A_120 = vector.broadcast %broadcast_in_dim3A_119 : i1 to vector<16xi1>
      %masked_cumsum3A_121 = tpu.scan <sum>, %mul3A_79 masked %broadcast_in_dim3A_120 : vector<16xf32>, vector<16xi1> -> vector<16xf32>
      %add3A_122 = vector.broadcast %squeeze3A_118 : f32 to vector<16xf32>
      %add3A_123 = arith.addf %masked_cumsum3A_121, %add3A_122 : vector<16xf32>
      %swap3A_124 = arith.constant 16 : index
      %swap3A_125 = tpu.vector_load %arg6[%swap3A_124] {strides = array<i32>} : memref<128xf32, #tpu.memory_space<vmem>>, vector<16xf32>,
      tpu.vector_store %arg6[%swap3A_124], %add3A_123 {strides = array<i32>} : memref<128xf32, #tpu.memory_space<vmem>>, vector<16xf32>,
      %slice3A_126 = vector.extract_strided_slice %add3A_123 {offsets = [15], sizes = [1], strides = [1]} : vector<16xf32> to vector<1xf32>
      %squeeze3A_127 = vector.extract %slice3A_126[0] : f32 from vector<1xf32>
      %broadcast_in_dim3A_128 = arith.constant true
      %broadcast_in_dim3A_129 = vector.broadcast %broadcast_in_dim3A_128 : i1 to vector<16xi1>
      %masked_cumsum3A_130 = tpu.scan <sum>, %mul3A_85 masked %broadcast_in_dim3A_129 : vector<16xf32>, vector<16xi1> -> vector<16xf32>
      %add3A_131 = vector.broadcast %squeeze3A_127 : f32 to vector<16xf32>
      %add3A_132 = arith.addf %masked_cumsum3A_130, %add3A_131 : vector<16xf32>
      %swap3A_133 = arith.constant 32 : index
      %swap3A_134 = tpu.vector_load %arg6[%swap3A_133] {strides = array<i32>} : memref<128xf32, #tpu.memory_space<vmem>>, vector<16xf32>,
      tpu.vector_store %arg6[%swap3A_133], %add3A_132 {strides = array<i32>} : memref<128xf32, #tpu.memory_space<vmem>>, vector<16xf32>,
      %slice3A_135 = vector.extract_strided_slice %add3A_132 {offsets = [15], sizes = [1], strides = [1]} : vector<16xf32> to vector<1xf32>
      %squeeze3A_136 = vector.extract %slice3A_135[0] : f32 from vector<1xf32>
      %broadcast_in_dim3A_137 = arith.constant true
      %broadcast_in_dim3A_138 = vector.broadcast %broadcast_in_dim3A_137 : i1 to vector<16xi1>
      %masked_cumsum3A_139 = tpu.scan <sum>, %mul3A_91 masked %broadcast_in_dim3A_138 : vector<16xf32>, vector<16xi1> -> vector<16xf32>
      %add3A_140 = vector.broadcast %squeeze3A_136 : f32 to vector<16xf32>
      %add3A_141 = arith.addf %masked_cumsum3A_139, %add3A_140 : vector<16xf32>
      %swap3A_142 = arith.constant 48 : index
      %swap3A_143 = tpu.vector_load %arg6[%swap3A_142] {strides = array<i32>} : memref<128xf32, #tpu.memory_space<vmem>>, vector<16xf32>,
      tpu.vector_store %arg6[%swap3A_142], %add3A_141 {strides = array<i32>} : memref<128xf32, #tpu.memory_space<vmem>>, vector<16xf32>,
      %slice3A_144 = vector.extract_strided_slice %add3A_141 {offsets = [15], sizes = [1], strides = [1]} : vector<16xf32> to vector<1xf32>
      %squeeze3A_145 = vector.extract %slice3A_144[0] : f32 from vector<1xf32>
      %broadcast_in_dim3A_146 = arith.constant true
      %broadcast_in_dim3A_147 = vector.broadcast %broadcast_in_dim3A_146 : i1 to vector<16xi1>
      %masked_cumsum3A_148 = tpu.scan <sum>, %mul3A_97 masked %broadcast_in_dim3A_147 : vector<16xf32>, vector<16xi1> -> vector<16xf32>
      %add3A_149 = vector.broadcast %squeeze3A_145 : f32 to vector<16xf32>
      %add3A_150 = arith.addf %masked_cumsum3A_148, %add3A_149 : vector<16xf32>
      %swap3A_151 = arith.constant 64 : index
      %swap3A_152 = tpu.vector_load %arg6[%swap3A_151] {strides = array<i32>} : memref<128xf32, #tpu.memory_space<vmem>>, vector<16xf32>,
      tpu.vector_store %arg6[%swap3A_151], %add3A_150 {strides = array<i32>} : memref<128xf32, #tpu.memory_space<vmem>>, vector<16xf32>,
      %slice3A_153 = vector.extract_strided_slice %add3A_150 {offsets = [15], sizes = [1], strides = [1]} : vector<16xf32> to vector<1xf32>
      %squeeze3A_154 = vector.extract %slice3A_153[0] : f32 from vector<1xf32>
      %broadcast_in_dim3A_155 = arith.constant true
      %broadcast_in_dim3A_156 = vector.broadcast %broadcast_in_dim3A_155 : i1 to vector<16xi1>
      %masked_cumsum3A_157 = tpu.scan <sum>, %mul3A_103 masked %broadcast_in_dim3A_156 : vector<16xf32>, vector<16xi1> -> vector<16xf32>
      %add3A_158 = vector.broadcast %squeeze3A_154 : f32 to vector<16xf32>
      %add3A_159 = arith.addf %masked_cumsum3A_157, %add3A_158 : vector<16xf32>
      %swap3A_160 = arith.constant 80 : index
      %swap3A_161 = tpu.vector_load %arg6[%swap3A_160] {strides = array<i32>} : memref<128xf32, #tpu.memory_space<vmem>>, vector<16xf32>,
      tpu.vector_store %arg6[%swap3A_160], %add3A_159 {strides = array<i32>} : memref<128xf32, #tpu.memory_space<vmem>>, vector<16xf32>,
      %slice3A_162 = vector.extract_strided_slice %add3A_159 {offsets = [15], sizes = [1], strides = [1]} : vector<16xf32> to vector<1xf32>
      %squeeze3A_163 = vector.extract %slice3A_162[0] : f32 from vector<1xf32>
      %broadcast_in_dim3A_164 = arith.constant true
      %broadcast_in_dim3A_165 = vector.broadcast %broadcast_in_dim3A_164 : i1 to vector<16xi1>
      %masked_cumsum3A_166 = tpu.scan <sum>, %mul3A_109 masked %broadcast_in_dim3A_165 : vector<16xf32>, vector<16xi1> -> vector<16xf32>
      %add3A_167 = vector.broadcast %squeeze3A_163 : f32 to vector<16xf32>
      %add3A_168 = arith.addf %masked_cumsum3A_166, %add3A_167 : vector<16xf32>
      %swap3A_169 = arith.constant 96 : index
      %swap3A_170 = tpu.vector_load %arg6[%swap3A_169] {strides = array<i32>} : memref<128xf32, #tpu.memory_space<vmem>>, vector<16xf32>,
      tpu.vector_store %arg6[%swap3A_169], %add3A_168 {strides = array<i32>} : memref<128xf32, #tpu.memory_space<vmem>>, vector<16xf32>,
      %slice3A_171 = vector.extract_strided_slice %add3A_168 {offsets = [15], sizes = [1], strides = [1]} : vector<16xf32> to vector<1xf32>
      %squeeze3A_172 = vector.extract %slice3A_171[0] : f32 from vector<1xf32>
      %get3A_173 = arith.constant 112 : index
      %get3A_174 = tpu.vector_load %arg5[%get3A_173] {strides = array<i32>} : memref<240xf32, #tpu.memory_space<vmem>>, vector<16xf32>,
      %get3A_175 = arith.constant 128 : index
      %get3A_176 = tpu.vector_load %arg5[%get3A_175] {strides = array<i32>} : memref<240xf32, #tpu.memory_space<vmem>>, vector<16xf32>,
      %get3A_177 = arith.constant 144 : index
      %get3A_178 = tpu.vector_load %arg5[%get3A_177] {strides = array<i32>} : memref<240xf32, #tpu.memory_space<vmem>>, vector<16xf32>,
      %get3A_179 = arith.constant 160 : index
      %get3A_180 = tpu.vector_load %arg5[%get3A_179] {strides = array<i32>} : memref<240xf32, #tpu.memory_space<vmem>>, vector<16xf32>,
      %get3A_181 = arith.constant 176 : index
      %get3A_182 = tpu.vector_load %arg5[%get3A_181] {strides = array<i32>} : memref<240xf32, #tpu.memory_space<vmem>>, vector<16xf32>,
      %get3A_183 = arith.constant 192 : index
      %get3A_184 = tpu.vector_load %arg5[%get3A_183] {strides = array<i32>} : memref<240xf32, #tpu.memory_space<vmem>>, vector<16xf32>,
      %get3A_185 = arith.constant 208 : index
      %get3A_186 = tpu.vector_load %arg5[%get3A_185] {strides = array<i32>} : memref<240xf32, #tpu.memory_space<vmem>>, vector<16xf32>,
      %max3A_187 = arith.maximumf %get3A_174, %get3A_176 : vector<16xf32>
      %max3A_188 = arith.maximumf %max3A_187, %get3A_178 : vector<16xf32>
      %max3A_189 = arith.maximumf %max3A_188, %get3A_180 : vector<16xf32>
      %max3A_190 = arith.maximumf %max3A_189, %get3A_182 : vector<16xf32>
      %max3A_191 = arith.maximumf %max3A_190, %get3A_184 : vector<16xf32>
      %max3A_192 = arith.maximumf %max3A_191, %get3A_186 : vector<16xf32>
      %broadcast_in_dim3A_193 = arith.constant true
      %broadcast_in_dim3A_194 = vector.broadcast %broadcast_in_dim3A_193 : i1 to vector<16xi1>
      %masked_cummax3A_195 = tpu.scan <max>, %max3A_192 masked %broadcast_in_dim3A_194 : vector<16xf32>, vector<16xi1> -> vector<16xf32>
      %slice3A_196 = vector.extract_strided_slice %masked_cummax3A_195 {offsets = [15], sizes = [1], strides = [1]} : vector<16xf32> to vector<1xf32>
      %squeeze3A_197 = vector.extract %slice3A_196[0] : f32 from vector<1xf32>
      %sub3A_198 = vector.broadcast %squeeze3A_197 : f32 to vector<16xf32>
      %sub3A_199 = arith.subf %get3A_174, %sub3A_198 : vector<16xf32>
      %exp3A_200 = math.exp %sub3A_199 : vector<16xf32>
      %sub3A_201 = vector.broadcast %squeeze3A_197 : f32 to vector<16xf32>
      %sub3A_202 = arith.subf %get3A_176, %sub3A_201 : vector<16xf32>
      %exp3A_203 = math.exp %sub3A_202 : vector<16xf32>
      %sub3A_204 = vector.broadcast %squeeze3A_197 : f32 to vector<16xf32>
      %sub3A_205 = arith.subf %get3A_178, %sub3A_204 : vector<16xf32>
      %exp3A_206 = math.exp %sub3A_205 : vector<16xf32>
      %sub3A_207 = vector.broadcast %squeeze3A_197 : f32 to vector<16xf32>
      %sub3A_208 = arith.subf %get3A_180, %sub3A_207 : vector<16xf32>
      %exp3A_209 = math.exp %sub3A_208 : vector<16xf32>
      %sub3A_210 = vector.broadcast %squeeze3A_197 : f32 to vector<16xf32>
      %sub3A_211 = arith.subf %get3A_182, %sub3A_210 : vector<16xf32>
      %exp3A_212 = math.exp %sub3A_211 : vector<16xf32>
      %sub3A_213 = vector.broadcast %squeeze3A_197 : f32 to vector<16xf32>
      %sub3A_214 = arith.subf %get3A_184, %sub3A_213 : vector<16xf32>
      %exp3A_215 = math.exp %sub3A_214 : vector<16xf32>
      %sub3A_216 = vector.broadcast %squeeze3A_197 : f32 to vector<16xf32>
      %sub3A_217 = arith.subf %get3A_186, %sub3A_216 : vector<16xf32>
      %exp3A_218 = math.exp %sub3A_217 : vector<16xf32>
      %add3A_219 = arith.addf %exp3A_200, %exp3A_203 : vector<16xf32>
      %add3A_220 = arith.addf %add3A_219, %exp3A_206 : vector<16xf32>
      %add3A_221 = arith.addf %add3A_220, %exp3A_209 : vector<16xf32>
      %add3A_222 = arith.addf %add3A_221, %exp3A_212 : vector<16xf32>
      %add3A_223 = arith.addf %add3A_222, %exp3A_215 : vector<16xf32>
      %add3A_224 = arith.addf %add3A_223, %exp3A_218 : vector<16xf32>
      %broadcast_in_dim3A_225 = arith.constant true
      %broadcast_in_dim3A_226 = vector.broadcast %broadcast_in_dim3A_225 : i1 to vector<16xi1>
      %masked_cumsum3A_227 = tpu.scan <sum>, %add3A_224 masked %broadcast_in_dim3A_226 : vector<16xf32>, vector<16xi1> -> vector<16xf32>
      %slice3A_228 = vector.extract_strided_slice %masked_cumsum3A_227 {offsets = [15], sizes = [1], strides = [1]} : vector<16xf32> to vector<1xf32>
      %squeeze3A_229 = vector.extract %slice3A_228[0] : f32 from vector<1xf32>
      %div3A_230 = vector.broadcast %squeeze3A_229 : f32 to vector<16xf32>
      %div3A_231 = arith.divf %exp3A_200, %div3A_230 : vector<16xf32>
      %div3A_232 = vector.broadcast %squeeze3A_229 : f32 to vector<16xf32>
      %div3A_233 = arith.divf %exp3A_203, %div3A_232 : vector<16xf32>
      %div3A_234 = vector.broadcast %squeeze3A_229 : f32 to vector<16xf32>
      %div3A_235 = arith.divf %exp3A_206, %div3A_234 : vector<16xf32>
      %div3A_236 = vector.broadcast %squeeze3A_229 : f32 to vector<16xf32>
      %div3A_237 = arith.divf %exp3A_209, %div3A_236 : vector<16xf32>
      %div3A_238 = vector.broadcast %squeeze3A_229 : f32 to vector<16xf32>
      %div3A_239 = arith.divf %exp3A_212, %div3A_238 : vector<16xf32>
      %div3A_240 = vector.broadcast %squeeze3A_229 : f32 to vector<16xf32>
      %div3A_241 = arith.divf %exp3A_215, %div3A_240 : vector<16xf32>
      %div3A_242 = vector.broadcast %squeeze3A_229 : f32 to vector<16xf32>
      %div3A_243 = arith.divf %exp3A_218, %div3A_242 : vector<16xf32>
      %broadcast_in_dim3A_244 = arith.constant true
      %broadcast_in_dim3A_245 = vector.broadcast %broadcast_in_dim3A_244 : i1 to vector<16xi1>
      %masked_cumsum3A_246 = tpu.scan <sum>, %div3A_231 masked %broadcast_in_dim3A_245 : vector<16xf32>, vector<16xi1> -> vector<16xf32>
      %add3A_247 = arith.constant 0.000000e+00 : f32
      %add3A_248 = vector.broadcast %add3A_247 : f32 to vector<16xf32>
      %add3A_249 = arith.addf %masked_cumsum3A_246, %add3A_248 : vector<16xf32>
      %swap3A_250 = arith.constant 0 : index
      %swap3A_251 = tpu.vector_load %arg7[%swap3A_250] {strides = array<i32>} : memref<128xf32, #tpu.memory_space<vmem>>, vector<16xf32>,
      tpu.vector_store %arg7[%swap3A_250], %add3A_249 {strides = array<i32>} : memref<128xf32, #tpu.memory_space<vmem>>, vector<16xf32>,
      %slice3A_252 = vector.extract_strided_slice %add3A_249 {offsets = [15], sizes = [1], strides = [1]} : vector<16xf32> to vector<1xf32>
      %squeeze3A_253 = vector.extract %slice3A_252[0] : f32 from vector<1xf32>
      %broadcast_in_dim3A_254 = arith.constant true
      %broadcast_in_dim3A_255 = vector.broadcast %broadcast_in_dim3A_254 : i1 to vector<16xi1>
      %masked_cumsum3A_256 = tpu.scan <sum>, %div3A_233 masked %broadcast_in_dim3A_255 : vector<16xf32>, vector<16xi1> -> vector<16xf32>
      %add3A_257 = vector.broadcast %squeeze3A_253 : f32 to vector<16xf32>
      %add3A_258 = arith.addf %masked_cumsum3A_256, %add3A_257 : vector<16xf32>
      %swap3A_259 = arith.constant 16 : index
      %swap3A_260 = tpu.vector_load %arg7[%swap3A_259] {strides = array<i32>} : memref<128xf32, #tpu.memory_space<vmem>>, vector<16xf32>,
      tpu.vector_store %arg7[%swap3A_259], %add3A_258 {strides = array<i32>} : memref<128xf32, #tpu.memory_space<vmem>>, vector<16xf32>,
      %slice3A_261 = vector.extract_strided_slice %add3A_258 {offsets = [15], sizes = [1], strides = [1]} : vector<16xf32> to vector<1xf32>
      %squeeze3A_262 = vector.extract %slice3A_261[0] : f32 from vector<1xf32>
      %broadcast_in_dim3A_263 = arith.constant true
      %broadcast_in_dim3A_264 = vector.broadcast %broadcast_in_dim3A_263 : i1 to vector<16xi1>
      %masked_cumsum3A_265 = tpu.scan <sum>, %div3A_235 masked %broadcast_in_dim3A_264 : vector<16xf32>, vector<16xi1> -> vector<16xf32>
      %add3A_266 = vector.broadcast %squeeze3A_262 : f32 to vector<16xf32>
      %add3A_267 = arith.addf %masked_cumsum3A_265, %add3A_266 : vector<16xf32>
      %swap3A_268 = arith.constant 32 : index
      %swap3A_269 = tpu.vector_load %arg7[%swap3A_268] {strides = array<i32>} : memref<128xf32, #tpu.memory_space<vmem>>, vector<16xf32>,
      tpu.vector_store %arg7[%swap3A_268], %add3A_267 {strides = array<i32>} : memref<128xf32, #tpu.memory_space<vmem>>, vector<16xf32>,
      %slice3A_270 = vector.extract_strided_slice %add3A_267 {offsets = [15], sizes = [1], strides = [1]} : vector<16xf32> to vector<1xf32>
      %squeeze3A_271 = vector.extract %slice3A_270[0] : f32 from vector<1xf32>
      %broadcast_in_dim3A_272 = arith.constant true
      %broadcast_in_dim3A_273 = vector.broadcast %broadcast_in_dim3A_272 : i1 to vector<16xi1>
      %masked_cumsum3A_274 = tpu.scan <sum>, %div3A_237 masked %broadcast_in_dim3A_273 : vector<16xf32>, vector<16xi1> -> vector<16xf32>
      %add3A_275 = vector.broadcast %squeeze3A_271 : f32 to vector<16xf32>
      %add3A_276 = arith.addf %masked_cumsum3A_274, %add3A_275 : vector<16xf32>
      %swap3A_277 = arith.constant 48 : index
      %swap3A_278 = tpu.vector_load %arg7[%swap3A_277] {strides = array<i32>} : memref<128xf32, #tpu.memory_space<vmem>>, vector<16xf32>,
      tpu.vector_store %arg7[%swap3A_277], %add3A_276 {strides = array<i32>} : memref<128xf32, #tpu.memory_space<vmem>>, vector<16xf32>,
      %slice3A_279 = vector.extract_strided_slice %add3A_276 {offsets = [15], sizes = [1], strides = [1]} : vector<16xf32> to vector<1xf32>
      %squeeze3A_280 = vector.extract %slice3A_279[0] : f32 from vector<1xf32>
      %broadcast_in_dim3A_281 = arith.constant true
      %broadcast_in_dim3A_282 = vector.broadcast %broadcast_in_dim3A_281 : i1 to vector<16xi1>
      %masked_cumsum3A_283 = tpu.scan <sum>, %div3A_239 masked %broadcast_in_dim3A_282 : vector<16xf32>, vector<16xi1> -> vector<16xf32>
      %add3A_284 = vector.broadcast %squeeze3A_280 : f32 to vector<16xf32>
      %add3A_285 = arith.addf %masked_cumsum3A_283, %add3A_284 : vector<16xf32>
      %swap3A_286 = arith.constant 64 : index
      %swap3A_287 = tpu.vector_load %arg7[%swap3A_286] {strides = array<i32>} : memref<128xf32, #tpu.memory_space<vmem>>, vector<16xf32>,
      tpu.vector_store %arg7[%swap3A_286], %add3A_285 {strides = array<i32>} : memref<128xf32, #tpu.memory_space<vmem>>, vector<16xf32>,
      %slice3A_288 = vector.extract_strided_slice %add3A_285 {offsets = [15], sizes = [1], strides = [1]} : vector<16xf32> to vector<1xf32>
      %squeeze3A_289 = vector.extract %slice3A_288[0] : f32 from vector<1xf32>
      %broadcast_in_dim3A_290 = arith.constant true
      %broadcast_in_dim3A_291 = vector.broadcast %broadcast_in_dim3A_290 : i1 to vector<16xi1>
      %masked_cumsum3A_292 = tpu.scan <sum>, %div3A_241 masked %broadcast_in_dim3A_291 : vector<16xf32>, vector<16xi1> -> vector<16xf32>
      %add3A_293 = vector.broadcast %squeeze3A_289 : f32 to vector<16xf32>
      %add3A_294 = arith.addf %masked_cumsum3A_292, %add3A_293 : vector<16xf32>
      %swap3A_295 = arith.constant 80 : index
      %swap3A_296 = tpu.vector_load %arg7[%swap3A_295] {strides = array<i32>} : memref<128xf32, #tpu.memory_space<vmem>>, vector<16xf32>,
      tpu.vector_store %arg7[%swap3A_295], %add3A_294 {strides = array<i32>} : memref<128xf32, #tpu.memory_space<vmem>>, vector<16xf32>,
      %slice3A_297 = vector.extract_strided_slice %add3A_294 {offsets = [15], sizes = [1], strides = [1]} : vector<16xf32> to vector<1xf32>
      %squeeze3A_298 = vector.extract %slice3A_297[0] : f32 from vector<1xf32>
      %broadcast_in_dim3A_299 = arith.constant true
      %broadcast_in_dim3A_300 = vector.broadcast %broadcast_in_dim3A_299 : i1 to vector<16xi1>
      %masked_cumsum3A_301 = tpu.scan <sum>, %div3A_243 masked %broadcast_in_dim3A_300 : vector<16xf32>, vector<16xi1> -> vector<16xf32>
      %add3A_302 = vector.broadcast %squeeze3A_298 : f32 to vector<16xf32>
      %add3A_303 = arith.addf %masked_cumsum3A_301, %add3A_302 : vector<16xf32>
      %swap3A_304 = arith.constant 96 : index
      %swap3A_305 = tpu.vector_load %arg7[%swap3A_304] {strides = array<i32>} : memref<128xf32, #tpu.memory_space<vmem>>, vector<16xf32>,
      tpu.vector_store %arg7[%swap3A_304], %add3A_303 {strides = array<i32>} : memref<128xf32, #tpu.memory_space<vmem>>, vector<16xf32>,
      %slice3A_306 = vector.extract_strided_slice %add3A_303 {offsets = [15], sizes = [1], strides = [1]} : vector<16xf32> to vector<1xf32>
      %squeeze3A_307 = vector.extract %slice3A_306[0] : f32 from vector<1xf32>
      %broadcast_in_dim3A_308 = arith.constant 1.000000e+30 : f32
      %broadcast_in_dim3A_309 = vector.broadcast %broadcast_in_dim3A_308 : f32 to vector<16xf32>
      %swap3A_310 = arith.constant 112 : index
      %swap3A_311 = tpu.vector_load %arg7[%swap3A_310] {strides = array<i32>} : memref<128xf32, #tpu.memory_space<vmem>>, vector<16xf32>,
      tpu.vector_store %arg7[%swap3A_310], %broadcast_in_dim3A_309 {strides = array<i32>} : memref<128xf32, #tpu.memory_space<vmem>>, vector<16xf32>,
      %get3A_312 = arith.constant 224 : index
      %get3A_313 = tpu.vector_load %arg5[%get3A_312] {strides = array<i32>} : memref<240xf32, #tpu.memory_space<vmem>>, vector<16xf32>,
      %broadcast_in_dim3A_314 = arith.constant 0 : i32
      %broadcast_in_dim3A_315 = vector.broadcast %broadcast_in_dim3A_314 : i32 to vector<16xi32>
      %add3A_316 = arith.constant 63 : i32
      %add3A_317 = vector.broadcast %add3A_316 : i32 to vector<16xi32>
      %add3A_318 = arith.addi %broadcast_in_dim3A_315, %add3A_317 : vector<16xi32>
      %gather3A = tpu.vector_load_idx %arg7[%add3A_318] : memref<128xf32, #tpu.memory_space<vmem>>[vector<16xi32>], vector<16xf32>,
      %lt3A_319 = arith.cmpf olt, %gather3A, %get3A_313 : vector<16xf32>
      %jit3A = arith.constant 64 : i32
      %jit3A_320 = arith.constant 0 : i32
      %broadcast_in_dim3A_321 = vector.broadcast %jit3A : i32 to vector<16xi32>
      %broadcast_in_dim3A_322 = vector.broadcast %jit3A_320 : i32 to vector<16xi32>
      %select_n3A = arith.select %lt3A_319, %broadcast_in_dim3A_321, %broadcast_in_dim3A_322 : vector<16xi1>, vector<16xi32>
      %add3A_323 = arith.addi %broadcast_in_dim3A_315, %select_n3A : vector<16xi32>
      %add3A_324 = arith.constant 31 : i32
      %add3A_325 = vector.broadcast %add3A_324 : i32 to vector<16xi32>
      %add3A_326 = arith.addi %add3A_323, %add3A_325 : vector<16xi32>
      %gather3A_327 = tpu.vector_load_idx %arg7[%add3A_326] : memref<128xf32, #tpu.memory_space<vmem>>[vector<16xi32>], vector<16xf32>,
      %lt3A_328 = arith.cmpf olt, %gather3A_327, %get3A_313 : vector<16xf32>
      %jit3A_329 = arith.constant 32 : i32
      %jit3A_330 = arith.constant 0 : i32
      %broadcast_in_dim3A_331 = vector.broadcast %jit3A_329 : i32 to vector<16xi32>
      %broadcast_in_dim3A_332 = vector.broadcast %jit3A_330 : i32 to vector<16xi32>
      %select_n3A_333 = arith.select %lt3A_328, %broadcast_in_dim3A_331, %broadcast_in_dim3A_332 : vector<16xi1>, vector<16xi32>
      %add3A_334 = arith.addi %add3A_323, %select_n3A_333 : vector<16xi32>
      %add3A_335 = arith.constant 15 : i32
      %add3A_336 = vector.broadcast %add3A_335 : i32 to vector<16xi32>
      %add3A_337 = arith.addi %add3A_334, %add3A_336 : vector<16xi32>
      %gather3A_338 = tpu.vector_load_idx %arg7[%add3A_337] : memref<128xf32, #tpu.memory_space<vmem>>[vector<16xi32>], vector<16xf32>,
      %lt3A_339 = arith.cmpf olt, %gather3A_338, %get3A_313 : vector<16xf32>
      %jit3A_340 = arith.constant 16 : i32
      %jit3A_341 = arith.constant 0 : i32
      %broadcast_in_dim3A_342 = vector.broadcast %jit3A_340 : i32 to vector<16xi32>
      %broadcast_in_dim3A_343 = vector.broadcast %jit3A_341 : i32 to vector<16xi32>
      %select_n3A_344 = arith.select %lt3A_339, %broadcast_in_dim3A_342, %broadcast_in_dim3A_343 : vector<16xi1>, vector<16xi32>
      %add3A_345 = arith.addi %add3A_334, %select_n3A_344 : vector<16xi32>
      %add3A_346 = arith.constant 7 : i32
      %add3A_347 = vector.broadcast %add3A_346 : i32 to vector<16xi32>
      %add3A_348 = arith.addi %add3A_345, %add3A_347 : vector<16xi32>
      %gather3A_349 = tpu.vector_load_idx %arg7[%add3A_348] : memref<128xf32, #tpu.memory_space<vmem>>[vector<16xi32>], vector<16xf32>,
      %lt3A_350 = arith.cmpf olt, %gather3A_349, %get3A_313 : vector<16xf32>
      %jit3A_351 = arith.constant 8 : i32
      %jit3A_352 = arith.constant 0 : i32
      %broadcast_in_dim3A_353 = vector.broadcast %jit3A_351 : i32 to vector<16xi32>
      %broadcast_in_dim3A_354 = vector.broadcast %jit3A_352 : i32 to vector<16xi32>
      %select_n3A_355 = arith.select %lt3A_350, %broadcast_in_dim3A_353, %broadcast_in_dim3A_354 : vector<16xi1>, vector<16xi32>
      %add3A_356 = arith.addi %add3A_345, %select_n3A_355 : vector<16xi32>
      %add3A_357 = arith.constant 3 : i32
      %add3A_358 = vector.broadcast %add3A_357 : i32 to vector<16xi32>
      %add3A_359 = arith.addi %add3A_356, %add3A_358 : vector<16xi32>
      %gather3A_360 = tpu.vector_load_idx %arg7[%add3A_359] : memref<128xf32, #tpu.memory_space<vmem>>[vector<16xi32>], vector<16xf32>,
      %lt3A_361 = arith.cmpf olt, %gather3A_360, %get3A_313 : vector<16xf32>
      %jit3A_362 = arith.constant 4 : i32
      %jit3A_363 = arith.constant 0 : i32
      %broadcast_in_dim3A_364 = vector.broadcast %jit3A_362 : i32 to vector<16xi32>
      %broadcast_in_dim3A_365 = vector.broadcast %jit3A_363 : i32 to vector<16xi32>
      %select_n3A_366 = arith.select %lt3A_361, %broadcast_in_dim3A_364, %broadcast_in_dim3A_365 : vector<16xi1>, vector<16xi32>
      %add3A_367 = arith.addi %add3A_356, %select_n3A_366 : vector<16xi32>
      %add3A_368 = arith.constant 1 : i32
      %add3A_369 = vector.broadcast %add3A_368 : i32 to vector<16xi32>
      %add3A_370 = arith.addi %add3A_367, %add3A_369 : vector<16xi32>
      %gather3A_371 = tpu.vector_load_idx %arg7[%add3A_370] : memref<128xf32, #tpu.memory_space<vmem>>[vector<16xi32>], vector<16xf32>,
      %lt3A_372 = arith.cmpf olt, %gather3A_371, %get3A_313 : vector<16xf32>
      %jit3A_373 = arith.constant 2 : i32
      %jit3A_374 = arith.constant 0 : i32
      %broadcast_in_dim3A_375 = vector.broadcast %jit3A_373 : i32 to vector<16xi32>
      %broadcast_in_dim3A_376 = vector.broadcast %jit3A_374 : i32 to vector<16xi32>
      %select_n3A_377 = arith.select %lt3A_372, %broadcast_in_dim3A_375, %broadcast_in_dim3A_376 : vector<16xi1>, vector<16xi32>
      %add3A_378 = arith.addi %add3A_367, %select_n3A_377 : vector<16xi32>
      %add3A_379 = arith.constant 0 : i32
      %add3A_380 = vector.broadcast %add3A_379 : i32 to vector<16xi32>
      %add3A_381 = arith.addi %add3A_378, %add3A_380 : vector<16xi32>
      %gather3A_382 = tpu.vector_load_idx %arg7[%add3A_381] : memref<128xf32, #tpu.memory_space<vmem>>[vector<16xi32>], vector<16xf32>,
      %lt3A_383 = arith.cmpf olt, %gather3A_382, %get3A_313 : vector<16xf32>
      %jit3A_384 = arith.constant 1 : i32
      %jit3A_385 = arith.constant 0 : i32
      %broadcast_in_dim3A_386 = vector.broadcast %jit3A_384 : i32 to vector<16xi32>
      %broadcast_in_dim3A_387 = vector.broadcast %jit3A_385 : i32 to vector<16xi32>
      %select_n3A_388 = arith.select %lt3A_383, %broadcast_in_dim3A_386, %broadcast_in_dim3A_387 : vector<16xi1>, vector<16xi32>
      %add3A_389 = arith.addi %add3A_378, %select_n3A_388 : vector<16xi32>
      %min3A = arith.constant 99 : i32
      %min3A_390 = vector.broadcast %min3A : i32 to vector<16xi32>
      %min3A_391 = arith.minsi %add3A_389, %min3A_390 : vector<16xi32>
      %gather3A_392 = tpu.vector_load_idx %arg6[%min3A_391] : memref<128xf32, #tpu.memory_space<vmem>>[vector<16xi32>], vector<16xf32>,
      %mul3A_393 = arith.constant 9.990000e-01 : f32
      %mul3A_394 = vector.broadcast %mul3A_393 : f32 to vector<16xf32>
      %mul3A_395 = arith.mulf %mul3A_394, %gather3A_392 : vector<16xf32>
      %add3A_396 = arith.constant 1.000000e-03 : f32
      %add3A_397 = vector.broadcast %add3A_396 : f32 to vector<16xf32>
      %add3A_398 = arith.addf %add3A_397, %mul3A_395 : vector<16xf32>
      %swap3A_399 = arith.constant 0 : index
      %swap3A_400 = tpu.vector_load %arg8[%swap3A_399] {strides = array<i32>} : memref<16xf32, #tpu.memory_space<vmem>>, vector<16xf32>,
      tpu.vector_store %arg8[%swap3A_399], %add3A_398 {strides = array<i32>} : memref<16xf32, #tpu.memory_space<vmem>>, vector<16xf32>,
      %broadcast_in_dim3A_401 = arith.constant 1.000000e+00 : f32
      %broadcast_in_dim3A_402 = vector.broadcast %broadcast_in_dim3A_401 : f32 to vector<16xf32>
      %swap3A_403 = arith.constant 0 : index
      %swap3A_404 = tpu.vector_load %arg9[%swap3A_403] {strides = array<i32>} : memref<16xf32, #tpu.memory_space<vmem>>, vector<16xf32>,
      tpu.vector_store %arg9[%swap3A_403], %broadcast_in_dim3A_402 {strides = array<i32>} : memref<16xf32, #tpu.memory_space<vmem>>, vector<16xf32>,
      "tpu.region"() ({
        %run_scoped3A = tpu.sem_alloc : memref<!tpu.dma_semaphore, #tpu.memory_space<semaphore_mem>>
        %dma_start3A = tpu.memref_slice %arg3[%mul3A_4] : memref<128xf32, #tpu.memory_space<hbm>> -> memref<16xf32, #tpu.memory_space<hbm>>
        %dma_start3A_405 = tpu.memref_slice %arg3[%mul3A_4] : memref<128xf32, #tpu.memory_space<hbm>> -> memref<16xf32, #tpu.memory_space<hbm>>
        tpu.enqueue_dma source(%arg8 : memref<16xf32, #tpu.memory_space<vmem>>) target(%dma_start3A_405 : memref<16xf32, #tpu.memory_space<hbm>>) target_semaphore(%run_scoped3A : memref<!tpu.dma_semaphore, #tpu.memory_space<semaphore_mem>>)
        %dma_wait3A = tpu.memref_slice %arg3[%mul3A_4] : memref<128xf32, #tpu.memory_space<hbm>> -> memref<16xf32, #tpu.memory_space<hbm>>
        %dma_wait3A_406 = tpu.memref_slice %arg3[%mul3A_4] : memref<128xf32, #tpu.memory_space<hbm>> -> memref<16xf32, #tpu.memory_space<hbm>>
        tpu.wait_dma2 semaphore(%run_scoped3A : memref<!tpu.dma_semaphore, #tpu.memory_space<semaphore_mem>>) src(%arg8 : memref<16xf32, #tpu.memory_space<vmem>>) dst(%dma_wait3A_406 : memref<16xf32, #tpu.memory_space<hbm>>)
        tpu.yield
      }) : () -> ()
      "tpu.region"() ({
        %run_scoped3A = tpu.sem_alloc : memref<!tpu.dma_semaphore, #tpu.memory_space<semaphore_mem>>
        %dma_start3A = tpu.memref_slice %arg4[%mul3A_4] : memref<128xf32, #tpu.memory_space<hbm>> -> memref<16xf32, #tpu.memory_space<hbm>>
        %dma_start3A_405 = tpu.memref_slice %arg4[%mul3A_4] : memref<128xf32, #tpu.memory_space<hbm>> -> memref<16xf32, #tpu.memory_space<hbm>>
        tpu.enqueue_dma source(%arg9 : memref<16xf32, #tpu.memory_space<vmem>>) target(%dma_start3A_405 : memref<16xf32, #tpu.memory_space<hbm>>) target_semaphore(%run_scoped3A : memref<!tpu.dma_semaphore, #tpu.memory_space<semaphore_mem>>)
        %dma_wait3A = tpu.memref_slice %arg4[%mul3A_4] : memref<128xf32, #tpu.memory_space<hbm>> -> memref<16xf32, #tpu.memory_space<hbm>>
        %dma_wait3A_406 = tpu.memref_slice %arg4[%mul3A_4] : memref<128xf32, #tpu.memory_space<hbm>> -> memref<16xf32, #tpu.memory_space<hbm>>
        tpu.wait_dma2 semaphore(%run_scoped3A : memref<!tpu.dma_semaphore, #tpu.memory_space<semaphore_mem>>) src(%arg9 : memref<16xf32, #tpu.memory_space<vmem>>) dst(%dma_wait3A_406 : memref<16xf32, #tpu.memory_space<hbm>>)
        tpu.yield
      }) : () -> ()
    } else {
    }
    return
  }
}

</mosaic_0001>

<sc_bundles>
// kernel: kernel.3.cloned.1.call-start
scs
__scs_entry_jumppad:
0x0: {  	(pc) =	sbr.rel $0x88, $3  }
0x1: {  	(tag) =	ssettag $0x0;
	lr =	simm.s32 $0x1  }
0x2: {  	[smem:$0x3F9F] =	sst lr;
	_ =	strace $0xD0000000  }
0x3: {  	_ = 	snop  }
0x4: {  	_ = 	snop  }
0x5: {  	_ = 	snop  }
0x6: {  	_ = 	snop  }
0x7: {  	_ = 	snop  }
__scs_overlays_trampoline_lowered:
0x8: {  	[smem:$0x3FAE] =	sst s0  }
0x9: {  	[smem:$0x3FAF] =	sst s1  }
0xa: {  	[smem:$0x3FB0] =	sst s2  }
0xb: {  	[smem:$0x3FB1] =	sst s3  }
0xc: {  	[smem:$0x3FB2] =	sst s4  }
0xd: {  	[smem:$0x3FB3] =	sst s5  }
0xe: {  	[smem:$0x3FB4] =	sst s6  }
0xf: {  	[smem:$0x3FB5] =	sst s7  }
0x10: {  	[smem:$0x3FB6] =	sst s8  }
0x11: {  	[smem:$0x3FB7] =	sst s9;
	s0 =	simm.s32 @!p0 $0x0  }
0x12: {  	s1 =	sld [smem:$0x3F9D];
	s0 =	simm.s32 @p0 $0x1  }
0x13: {  	[smem:$0x3FB8] =	sst s0;
	s0 =	simm.s32 @!p1 $0x0  }
0x14: {  	s2 =	sld [smem:$0x3F9C];
	s0 =	simm.s32 @p1 $0x1  }
0x15: {  	[smem:$0x3FB9] =	sst s0;
	s0 =	simm.s32 @!p2 $0x0  }
0x16: {  	s3 =	sld [smem:$0x3FDB];
	s0 =	simm.s32 @p2 $0x1  }
0x17: {  	s4 =	simm.s32 $0x1BF5;
	[smem:$0x3FBB] =	sst s0  }
0x18: {  	s0 =	sld [smem:$0x3F9E];
	_ =	swait.ge [sflag:s4], $0x0  }
0x19: {  	s7 =	sld [smem:$0x3F9F]  }
0x1a: {  	s8 =	sadd.s32 $0xFFFFE003, lr  }
0x1b: {  	s9 =	sadd.s32 $0xFFFFFEF7, lr;
	s5 =	simm.s32 $0xFFFFFFFF;
	p2 =	slt.u32 s8, $0xFFFFF086  }
0x1c: {  	p1 =	slt.u32 s9, $0xF7A;
	s5 =	simm.s32 @!p2 $0x0  }
0x1d: {  	s5 =	simm.s32 @p1 $0x1;
	p0 =	seq.s32 s7, s2  }
0x1e: {  	s7 =	smul.u32 @!p0 $0xF7A, s2;
	p2 =	seq.s32 @!p0 s5, $0x0  }
0x1f: {  	s9 =	smul.u32 $0xF7A, s1;
	s8 =	simm.s32 @!p0 $0x1BF5;
	p2 =	por !p2, p0  }
0x20: {  	[sflag:s8] =	ssyncset.s32 @!p0 $0xFFFFF086;
	s6 =	sadd.s32 @!p0 s3, s7;
	s7 =	simm.s32 @!p0 $0x108  }
0x21: {  	s3 =	sadd.s32 s3, s9;
	s6 =	sadd.s32 @!p0 $0x88, s6;
	s7 =	simm.s32 @p2 $0x1082  }
0x22: {  	[simem:s7], [sflag:s8] =	dma.local @!p0 [hbm:s6], $0xF7A  }
0x23: {  	s9 =	sor.u32 $0xD0000000, s2;
	s6 =	simm.s32 $0x108;
	_ =	swait.ge @!p0 [sflag:s8], $0x0  }
0x24: {  	s3 =	sadd.s32 $0x88, s3;
	s6 =	simm.s32 @!p1 $0x1082;
	[sflag:s4] =	ssyncset.s32 $0xFFFFF086  }
0x25: {  	[simem:s6], [sflag:s4] =	dma.local [hbm:s3], $0xF7A  }
0x26: {  	[smem:$0x3F9F] =	sst s1;
	(tag) =	ssettag s2;
	_ =	strace s9  }
0x27: {  	s1 =	sld [smem:$0x3FAF]  }
0x28: {  	s2 =	sld [smem:$0x3FB0]  }
0x29: {  	s4 =	sld [smem:$0x3FB2]  }
0x2a: {  	p0 =	seq.s32 s5, $0x0;
	s5 =	sld [smem:$0x3FB3]  }
0x2b: {  	s6 =	sld [smem:$0x3FB4]  }
0x2c: {  	s7 =	sld [smem:$0x3FB5]  }
0x2d: {  	s3 =	simm.s32 $0x108;
	s8 =	sld [smem:$0x3FB6]  }
0x2e: {  	s3 =	simm.s32 @!p0 $0x1082;
	s9 =	sld [smem:$0x3FB7]  }
0x2f: {  	lr =	sadd.s32 s0, s3;
	s0 =	sld [smem:$0x3FAE]  }
0x30: {  	s3 =	sld [smem:$0x3FB1]  }
0x31: {  	[smem:$0x3FBA] =	sst s10  }
0x32: {  	s10 =	sld [smem:$0x3FB8];
	_ =	sdelay $0x3  }
0x33: {  	p0 =	seq.s32 s10, $0x1;
	s10 =	sld [smem:$0x3FBA];
	_ =	sdelay $0x3  }
0x34: {  	[smem:$0x3FBA] =	sst s10  }
0x35: {  	s10 =	sld [smem:$0x3FB9];
	_ =	sdelay $0x3  }
0x36: {  	p1 =	seq.s32 s10, $0x1;
	s10 =	sld [smem:$0x3FBA];
	_ =	sdelay $0x3  }
0x37: {  	[smem:$0x3FBA] =	sst s10  }
0x38: {  	s10 =	sld [smem:$0x3FBB]  }
0x39: {  	_ = 	snop;
	(pc) =	sbr.ind lr, $3  }
0x3a: {  	_ = 	snop  }
0x3b: {  	_ = 	snop  }
0x3c: {  	p2 =	seq.s32 s10, $0x1;
	s10 =	sld [smem:$0x3FBA]  }
0x3d: {  	_ =	shalt  }
0x3e: {  	_ =	shalt  }
0x3f: {  	_ =	shalt  }
0x40: {  	_ =	shalt  }
0x41: {  	_ =	shalt  }
0x42: {  	_ =	shalt  }
0x43: {  	_ =	shalt  }
0x44: {  	_ =	shalt  }
0x45: {  	_ =	shalt  }
0x46: {  	_ =	shalt  }
0x47: {  	_ =	shalt  }
0x48: {  	_ =	shalt  }
0x49: {  	_ =	shalt  }
0x4a: {  	_ =	shalt  }
0x4b: {  	_ =	shalt  }
0x4c: {  	_ =	shalt  }
0x4d: {  	_ =	shalt  }
0x4e: {  	_ =	shalt  }
0x4f: {  	_ =	shalt  }
0x50: {  	_ =	shalt  }
0x51: {  	_ =	shalt  }
0x52: {  	_ =	shalt  }
0x53: {  	_ =	shalt  }
0x54: {  	_ =	shalt  }
0x55: {  	_ =	shalt  }
0x56: {  	_ =	shalt  }
0x57: {  	_ =	shalt  }
0x58: {  	_ =	shalt  }
0x59: {  	_ =	shalt  }
0x5a: {  	_ =	shalt  }
0x5b: {  	_ =	shalt  }
0x5c: {  	_ =	shalt  }
0x5d: {  	_ =	shalt  }
0x5e: {  	_ =	shalt  }
0x5f: {  	_ =	shalt  }
0x60: {  	_ =	shalt  }
0x61: {  	_ =	shalt  }
0x62: {  	_ =	shalt  }
0x63: {  	_ =	shalt  }
0x64: {  	_ =	shalt  }
0x65: {  	_ =	shalt  }
0x66: {  	_ =	shalt  }
0x67: {  	_ =	shalt  }
0x68: {  	_ =	shalt  }
0x69: {  	_ =	shalt  }
0x6a: {  	_ =	shalt  }
0x6b: {  	_ =	shalt  }
0x6c: {  	_ =	shalt  }
0x6d: {  	_ =	shalt  }
0x6e: {  	_ =	shalt  }
0x6f: {  	_ =	shalt  }
0x70: {  	_ =	shalt  }
0x71: {  	_ =	shalt  }
0x72: {  	_ =	shalt  }
0x73: {  	_ =	shalt  }
0x74: {  	_ =	shalt  }
0x75: {  	_ =	shalt  }
0x76: {  	_ =	shalt  }
0x77: {  	_ =	shalt  }
0x78: {  	_ =	shalt  }
0x79: {  	_ =	shalt  }
0x7a: {  	_ =	shalt  }
0x7b: {  	_ =	shalt  }
0x7c: {  	_ =	shalt  }
0x7d: {  	_ =	shalt  }
0x7e: {  	_ =	shalt  }
0x7f: {  	_ =	shalt  }
0x80: {  	_ =	shalt  }
0x81: {  	_ =	shalt  }
0x82: {  	_ =	shalt  }
0x83: {  	_ =	shalt  }
0x84: {  	_ =	shalt  }
0x85: {  	_ =	shalt  }
0x86: {  	_ =	shalt  }
0x87: {  	_ =	shalt  }
.Lfunc_end0:
.L_simem_size_0:
called_computation_lowered:
.L_overlay_start_0:
0x88: {  	s0 =	sld [smem:$0x3FD9]  }
0x89: {  	s1 =	sld [smem:$0x3FFE];
	_ =	sdelay $0x3  }
0x8a: {  	s0 =	sadd.s32 s1, s0  }
0x8b: {  	[smem:$0x3FC6] =	sst s0  }
0x8c: {  	_ = 	snop  }
0x8d: {  	s0 =	sld [smem:$0x3FD0];
	_ =	sdelay $0x2  }
0x8e: {  	s13 =	simm.s32 $0xA;
	s2 =	simm.s32 $0x10  }
0x8f: {  	[smem:s2], [sflag:s13] =	dma.local [hbm:s0], $0x1  }
0x90: {  	_ =	swait.eq [sflag:s13], $0x1  }
0x91: {  	[sflag:s13] =	ssyncset.done $0x0  }
0x92: {  	s14 =	sld [smem:$0x10];
	[sflag:s13] =	ssyncadd.s32 $0xFFFFFFFF  }
0x93: {  	s15 =	sld [smem:$0x11];
	(tm) =	ssettm $0x1  }
0x94: {  	s16 =	sld [smem:$0x3FFB];
	_ =	sdelay $0x3  }
0x95: {  	_ =	strace s16  }
0x96: {  	s2 =	sld [smem:$0x3FFC];
	_ =	sdelay $0x3  }
0x97: {  	_ =	strace s2  }
0x98: {  	s2 =	sld [smem:$0x3FFD];
	_ =	sdelay $0x3  }
0x99: {  	_ =	strace s2  }
0x9a: {  	_ =	strace $0x8FFFFFFF  }
0x9b: {  	s17 =	sld [smem:$0x3FDB];
	_ =	sdelay $0x1  }
0x9c: {  	s3 =	simm.s32 $_scs_section_size  }
0x9d: {  	s4 =	simm.s32 $_size__tile_overlayer_lowered;
	s5 =	simm.s32 $_tile_overlayer_lowered  }
0x9e: {  	s20 =	simm.s32 $0x1BFF;
	s19 =	sshll.u32 s5, $0x1;
	s2 =	sadd.s32 s3, s17  }
0x9f: {  	s6 =	simm.s32 $0x0;
	s18 =	sshll.u32 s4, $0x1;
	s4 =	sadd.s32 s19, s2  }
0xa0: {  	[timem:s6], [sflag:s20] =	dma.local [hbm:s4], s18  }
0xa1: {  	_ =	swait.ge [sflag:s20], s18  }
0xa2: {  	s3 =	ssub.s32 $0x0, s18;
	[sflag:s20] =	ssyncset.done $0x0  }
0xa3: {  	[sflag:s20] =	ssyncadd.s32 s3;
	_ =	sdelay $0x1  }
0xa4: {  	s21 =	simm.s32 $0x1B8B  }
0xa5: {  	_ =	swait.ge [sflag:s21], $0x1  }
0xa6: {  	[sflag:s21] =	ssyncset.done $0x0  }
0xa7: {  	s23 =	simm.s32 $0x1B8E;
	s22 =	sld [smem:$0x3FFE];
	[sflag:s21] =	ssyncadd.s32 $0xFFFFFFFF  }
0xa8: {  	s24 =	simm.s32 $execute0_lowered;
	[smem:$0x3FD2] =	sst s23  }
0xa9: {  	s4 =	sshll.u32 s24, $0x1;
	_ =	strace $0x80000046;
	[dreg:$0x1] =	wrdreg $0xFFFFFFFF  }
0xaa: {  	s25 =	simm.s32 $_size_execute0_lowered;
	s2 =	sadd.s32 s2, s4;
	[dreg:$0x0] =	wrdreg $0x0  }
0xab: {  	s4 =	sshll.u32 s25, $0x1;
	[dreg:$0x2] =	wrdreg s2  }
0xac: {  	[dreg:$0x3] =	wrdreg s4  }
0xad: {  	[dreg:$0x4] =	wrdreg $0xC0  }
0xae: {  	_ =	task [dreg:s6], $0x5FFFF  }
0xaf: {  	[dreg:$0x1] =	wrdreg $0xFFFFFFFF  }
0xb0: {  	[dreg:$0x0] =	wrdreg $0x60  }
0xb1: {  	[dreg:$0x2] =	wrdreg s22  }
0xb2: {  	[dreg:$0x3] =	wrdreg s14  }
0xb3: {  	[dreg:$0x4] =	wrdreg s15  }
0xb4: {  	[dreg:$0x5] =	wrdreg $0x9  }
0xb5: {  	_ =	task.clear_ibuf [dreg:s6], $0x6FFFF;
	_ =	strace $0x90000046  }
0xb6: {  	s26 =	simm.s32 $0x9;
	_ =	strace $0x80000048  }
0xb7: {  	_ =	swait.ge [sflag:s26], $0x1  }
0xb8: {  	[sflag:s26] =	ssyncadd.s32 $0xFFFFFFFF  }
0xb9: {  	_ =	strace $0x90000048  }
0xba: {  	_ =	sfence  }
0xbb: {  	s28 =	sld [smem:$0x0];
	_ =	sdelay $0x1  }
0xbc: {  	s29 =	srdreg.scid  }
0xbd: {  	s30 =	sshll.u32 s29, $0xD;
	s31 =	sshrl.u32 s29, $0x2  }
0xbe: {  	s1 =	sand.u32 $0x1, s29;
	s2 =	sand.u32 $0x4000, s30;
	s0 =	sadd.s32 s31, s28  }
0xbf: {  	s1 =	sor.u32 s2, s1;
	s0 =	sshll.u32 s0, $0x11  }
0xc0: {  	s0 =	sor.u32 s0, s1  }
0xc1: {  	s0 =	sadd.s32 $0x8F2B, s0  }
0xc2: {  	[sflag:s0] =	ssyncadd.remote.s32 $0x1  }
0xc3: {  	_ =	sfence.sel $0xFFFF  }
0xc4: {  	[dreg:$0x0] =	wrdreg $0xFFFFFFFF;
	(pc) =	sbr.abs _section_cstart, $3  }
0xc5: {  	[dreg:$0x1] =	wrdreg $0xFFFFFFFF  }
0xc6: {  	_ =	task.clear_ibuf [dreg:s6], $0x2FFFF;
	_ =	strace $0x9FFFFFFF  }
0xc7: {  	(tm) =	ssettm $0x7FFFFFFF  }
tec
execute0_lowered:
.L_overlay_start_1:
0x0: {  	(tag) =	ssettag $0x1  }
0x1: {  	s1 =	stileid.u32  }
0x2: {  	p0 =	sgt.u32 s1, $0x7  }
.Ltmp0:
0x3: {  	s5 =	rddreg [dreg:$0x0];
	(pc) =	sbr.rel @p0 .LBB2_2-.Ltmp0, $4  }
0x4: {  	s4 =	rddreg [dreg:$0x1]  }
0x5: {  	s3 =	rddreg [dreg:$0x2];
	s2 =	simm.s32 $0x0  }
0x6: {  	[smem:$0x7FF] =	sst s2  }
0x7: {  	s0 =	rddreg [dreg:$0x3];
	_ =	strace $0x80000047  }
0x8: {  	s7 =	sadd.s32 $0xC00, s5;
	s26 =	simm.s32 $0x1  }
0x9: {  	[tilespmem:s2], [sflag:$0x1] =	stream.linear.gather [hbm4b:s7+s2], $0xE0, $0x38;
	[tilespmem:$0x300] =	vst v63  }
0xa: {  	s6 =	sshll.u32 s1, $0x1;
	_ =	swait.ge [sflag:s26], $0xE0  }
0xb: {  	s7 =	sadd.s32 s6, s7;
	[sflag:s26] =	ssyncset.done $0x0  }
0xc: {  	s8 =	simm.s32 $0xE0;
	s7 =	sadd.s32 $0x1C, s7;
	[sflag:s26] =	ssyncadd.s32 $0xFFFFFF20  }
0xd: {  	[tilespmem:s8], [sflag:$0x1] =	stream.linear.gather [hbm4b:s7+s2], $0x10, $0x38;
	[tilespmem:$0x300] =	vst v63  }
0xe: {  	_ =	swait.ge [sflag:s26], $0x10  }
0xf: {  	[sflag:s26] =	ssyncset.done $0x0  }
0x10: {  	[sflag:s26] =	ssyncadd.s32 $0xFFFFFFF0  }
0x11: {  	v0 =	vld [tilespmem:$0x0]  }
0x12: {  	v1 =	vld [tilespmem:$0x10]  }
0x13: {  	v2 =	vld [tilespmem:$0x20]  }
0x14: {  	v3 =	vld [tilespmem:$0x30]  }
0x15: {  	v4 =	vld [tilespmem:$0x40]  }
0x16: {  	v5 =	vld [tilespmem:$0x50]  }
0x17: {  	v6 =	vld [tilespmem:$0x60];
	v7 =	vmax.f32 v0, v1  }
0x18: {  	v7 =	vmax.f32 v7, v2  }
0x19: {  	v7 =	vmax.f32 v7, v3  }
0x1a: {  	v7 =	vmax.f32 v7, v4  }
0x1b: {  	v7 =	vmax.f32 v7, v5  }
0x1c: {  	v7 =	vmax.f32 v7, v6  }
0x1d: {  	(xrf0) =	vmax.scan.msk.f32 $0xffff, v7;
	_ =	sdelay $0x5  }
0x1e: {  	v7, _, _ =	vpop (xrf0)  }
0x1f: {  	v7 =	vbroadcast v7, $0xF;
	_ =	sdelay $0x1  }
0x20: {  	v0 =	vsub.f32 v0, v7  }
0x21: {  	v1 =	vsub.f32 v1, v7  }
0x22: {  	v0 =	vmul.f32 $1.442695020e+00, v0  }
0x23: {  	v2 =	vsub.f32 v2, v7;
	v1 =	vmul.f32 $1.442695020e+00, v1  }
0x24: {  	(erf) = vpow2.f32 v0  }
0x25: {  	v38 =	vsub.f32 v3, v7;
	v37 =	vmul.f32 $1.442695020e+00, v2;
	(erf) = vpow2.f32 v1;
	_ =	sdelay $0x1  }
0x26: {  	v40 =	vsub.f32 v4, v7;
	v39 =	vmul.f32 $1.442695020e+00, v38;
	(erf) = vpow2.f32 v37;
	_ =	sdelay $0x1  }
0x27: {  	v42 =	vsub.f32 v5, v7;
	v41 =	vmul.f32 $1.442695020e+00, v40;
	(erf) = vpow2.f32 v39;
	_ =	sdelay $0x1  }
0x28: {  	v44 =	vsub.f32 v6, v7;
	v43 =	vmul.f32 $1.442695020e+00, v42;
	(erf) = vpow2.f32 v41;
	_ =	sdelay $0x1  }
0x29: {  	v46 =	vmul.f32 $1.442695020e+00, v44;
	v45 =	vpop (erf);
	(erf) = vpow2.f32 v43  }
0x2a: {  	v47 =	vpop (erf)  }
0x2b: {  	(erf) = vpow2.f32 v46;
	v48 =	vadd.f32 v47, v45  }
0x2c: {  	v50 =	vld [tilespmem:$0x70];
	v49 =	vpop (erf)  }
0x2d: {  	v51 =	vld [tilespmem:$0x80];
	v0 =	vadd.f32 v48, v49  }
0x2e: {  	v53 =	vld [tilespmem:$0x90];
	v52 =	vpop (erf)  }
0x2f: {  	v8 =	vld [tilespmem:$0xA0];
	v0 =	vadd.f32 v0, v52  }
0x30: {  	v10 =	vld [tilespmem:$0xB0];
	v9 =	vpop (erf)  }
0x31: {  	v11 =	vld [tilespmem:$0xC0];
	v0 =	vadd.f32 v0, v9  }
0x32: {  	v13 =	vld [tilespmem:$0xD0];
	v14 =	vmax.f32 v50, v51;
	v12 =	vpop (erf)  }
0x33: {  	v14 =	vmax.f32 v14, v53;
	v0 =	vadd.f32 v0, v12  }
0x34: {  	v14 =	vmax.f32 v14, v8;
	v15 =	vpop (erf)  }
0x35: {  	v14 =	vmax.f32 v14, v10;
	v0 =	vadd.f32 v0, v15  }
0x36: {  	v14 =	vmax.f32 v14, v11  }
0x37: {  	v54 =	vmax.f32 v14, v13;
	(xrf2) =	vadd.scan.msk.f32 $0xffff, v0  }
0x38: {  	(xrf0) =	vmax.scan.msk.f32 $0xffff, v54;
	_ =	sdelay $0x5  }
0x39: {  	v0, _, _ =	vpop (xrf0)  }
0x3a: {  	v0 =	vbroadcast v0, $0xF;
	_ =	sdelay $0x1  }
0x3b: {  	v4 =	vsub.f32 v50, v0;
	v55, _, _ =	vpop (xrf2)  }
0x3c: {  	v5 =	vsub.f32 v51, v0;
	v14 =	vbroadcast v55, $0xF  }
0x3d: {  	v4 =	vmul.f32 $1.442695020e+00, v4  }
0x3e: {  	v7 =	vsub.f32 v53, v0;
	v5 =	vmul.f32 $1.442695020e+00, v5;
	(erf) = vrcp.f32 v14  }
0x3f: {  	(erf) = vpow2.f32 v4  }
0x40: {  	v57 =	vsub.f32 v8, v0;
	v56 =	vmul.f32 $1.442695020e+00, v7;
	(erf) = vpow2.f32 v5;
	_ =	sdelay $0x1  }
0x41: {  	v59 =	vsub.f32 v10, v0;
	v58 =	vmul.f32 $1.442695020e+00, v57;
	(erf) = vpow2.f32 v56;
	_ =	sdelay $0x1  }
0x42: {  	v61 =	vsub.f32 v11, v0;
	v60 =	vmul.f32 $1.442695020e+00, v59;
	(erf) = vpow2.f32 v58;
	_ =	sdelay $0x1  }
0x43: {  	v0 =	vsub.f32 v13, v0;
	v62 =	vmul.f32 $1.442695020e+00, v61;
	(erf) = vpow2.f32 v60  }
0x44: {  	v63 =	vpop (erf)  }
0x45: {  	v0 =	vmul.f32 $1.442695020e+00, v0;
	(erf) = vpow2.f32 v62;
	v16 =	vpop (erf)  }
0x46: {  	v2 =	vmul.f32 v63, v45;
	v17 =	vpop (erf)  }
0x47: {  	v1 =	vmul.f32 v63, v47;
	(erf) = vpow2.f32 v0;
	v18 =	vadd.f32 v17, v16  }
0x48: {  	v3 =	vmul.f32 v63, v49;
	v6 =	vmul.f32 v63, v52;
	v19 =	vpop (erf);
	v2 =	vadd.f32 $9.999999740e-05, v2  }
0x49: {  	v9 =	vmul.f32 v63, v9;
	v1 =	vadd.f32 $9.999999740e-05, v1;
	v0 =	vadd.f32 v18, v19  }
0x4a: {  	v21 =	vmul.f32 v63, v12;
	v3 =	vadd.f32 $9.999999740e-05, v3;
	v20 =	vpop (erf);
	v2 =	vmul.f32 $9.900990120e-01, v2  }
0x4b: {  	v6 =	vadd.f32 $9.999999740e-05, v6;
	v1 =	vmul.f32 $9.900990120e-01, v1;
	v0 =	vadd.f32 v0, v20  }
0x4c: {  	v5 =	vmul.f32 v63, v15;
	v9 =	vadd.f32 $9.999999740e-05, v9;
	v22 =	vpop (erf);
	v3 =	vmul.f32 $9.900990120e-01, v3;
	(xrf2) =	vadd.scan.msk.f32 $0xffff, v2  }
0x4d: {  	v24 =	vadd.f32 $9.999999740e-05, v21;
	v23 =	vmul.f32 $9.900990120e-01, v6;
	(xrf2) =	vadd.scan.msk.f32 $0xffff, v1;
	v0 =	vadd.f32 v0, v22  }
0x4e: {  	v5 =	vadd.f32 $9.999999740e-05, v5;
	v9 =	vmul.f32 $9.900990120e-01, v9;
	v25 =	vpop (erf);
	(xrf2) =	vadd.scan.msk.f32 $0xffff, v3  }
0x4f: {  	v26 =	vmul.f32 $9.900990120e-01, v24;
	(xrf2) =	vadd.scan.msk.f32 $0xffff, v23;
	v0 =	vadd.f32 v0, v25  }
0x50: {  	v27 =	vmul.f32 $9.900990120e-01, v5;
	v28 =	vpop (erf);
	(xrf2) =	vadd.scan.msk.f32 $0xffff, v9  }
0x51: {  	(xrf2) =	vadd.scan.msk.f32 $0xffff, v26;
	v0 =	vadd.f32 v0, v28  }
0x52: {  	(xrf2) =	vadd.scan.msk.f32 $0xffff, v27  }
0x53: {  	(xrf2) =	vadd.scan.msk.f32 $0xffff, v0;
	_ =	sdelay $0x2  }
0x54: {  	v29, _, _ =	vpop (xrf2)  }
0x55: {  	v30, _, _ =	vpop (xrf2)  }
0x56: {  	v31, _, _ =	vpop (xrf2)  }
0x57: {  	v32, _, _ =	vpop (xrf2)  }
0x58: {  	v9, _, _ =	vpop (xrf2)  }
0x59: {  	v33, _, _ =	vpop (xrf2)  }
0x5a: {  	v34, _, _ =	vpop (xrf2)  }
0x5b: {  	v35, _, _ =	vpop (xrf2)  }
0x5c: {  	v14 =	vbroadcast v35, $0xF;
	_ =	sdelay $0x1  }
0x5d: {  	(erf) = vrcp.f32 v14;
	_ =	sdelay $0x8  }
0x5e: {  	v14 =	vpop (erf)  }
0x5f: {  	v7 =	vmul.f32 v14, v16;
	_ =	sdelay $0x1  }
0x60: {  	(xrf2) =	vadd.scan.msk.f32 $0xffff, v7;
	_ =	sdelay $0x1  }
0x61: {  	v4 =	vmul.f32 v14, v17;
	_ =	sdelay $0x1  }
0x62: {  	(xrf2) =	vadd.scan.msk.f32 $0xffff, v4;
	_ =	sdelay $0x1  }
0x63: {  	v0 =	vadd.f32 $0.0e+00, v29;
	v37 =	vmul.f32 v14, v19;
	_ =	sdelay $0x1  }
0x64: {  	v36 =	vbroadcast v0, $0xF;
	(xrf2) =	vadd.scan.msk.f32 $0xffff, v37;
	_ =	sdelay $0x1  }
0x65: {  	v2 =	vadd.f32 v36, v30;
	v38 =	vmul.f32 v14, v20;
	v39, _, _ =	vpop (xrf2)  }
0x66: {  	v8 =	vadd.f32 $0.0e+00, v39  }
0x67: {  	v4 =	vbroadcast v2, $0xF;
	(xrf2) =	vadd.scan.msk.f32 $0xffff, v38  }
0x68: {  	v40 =	vbroadcast v8, $0xF  }
0x69: {  	v42 =	vmul.f32 v14, v22;
	v3 =	vadd.f32 v4, v31;
	v43, _, _ =	vpop (xrf2)  }
0x6a: {  	v4 =	vadd.f32 v40, v43  }
0x6b: {  	v41 =	vbroadcast v3, $0xF;
	(xrf2) =	vadd.scan.msk.f32 $0xffff, v42  }
0x6c: {  	v44 =	vbroadcast v4, $0xF  }
0x6d: {  	v1 =	vmul.f32 v14, v25;
	v6 =	vadd.f32 v41, v32;
	v46, _, _ =	vpop (xrf2)  }
0x6e: {  	v7 =	vadd.f32 v44, v46  }
0x6f: {  	v45 =	vbroadcast v6, $0xF;
	(xrf2) =	vadd.scan.msk.f32 $0xffff, v1  }
0x70: {  	v47 =	vbroadcast v7, $0xF  }
0x71: {  	v58 =	vimm.f32 $1.000000020e+30;
	v5 =	vmul.f32 v14, v28;
	v9 =	vadd.f32 v45, v9;
	v48, _, _ =	vpop (xrf2)  }
0x72: {  	[tilespmem:$0x1F0] =	vst v58;
	v1 =	vadd.f32 v47, v48  }
0x73: {  	[tilespmem:$0x100] =	vst v0;
	v10 =	vbroadcast v9, $0xF;
	(xrf2) =	vadd.scan.msk.f32 $0xffff, v5  }
0x74: {  	[tilespmem:$0x110] =	vst v2;
	v50 =	vbroadcast v1, $0xF  }
0x75: {  	[tilespmem:$0x120] =	vst v3;
	v49 =	vadd.f32 v10, v33;
	v51, _, _ =	vpop (xrf2)  }
0x76: {  	[tilespmem:$0x130] =	vst v6;
	v2 =	vadd.f32 v50, v51  }
0x77: {  	[tilespmem:$0x140] =	vst v9;
	v52 =	vbroadcast v49, $0xF  }
0x78: {  	[tilespmem:$0x180] =	vst v8;
	v53 =	vbroadcast v2, $0xF  }
0x79: {  	[tilespmem:$0x150] =	vst v49;
	v3 =	vadd.f32 v52, v34;
	v54, _, _ =	vpop (xrf2)  }
0x7a: {  	[tilespmem:$0x190] =	vst v4;
	v0 =	vadd.f32 v53, v54  }
0x7b: {  	[tilespmem:$0x160] =	vst v3  }
0x7c: {  	v57 =	vimm.s32 $0x3F;
	[tilespmem:$0x1A0] =	vst v7;
	v55 =	vbroadcast v0, $0xF  }
0x7d: {  	[tilespmem:$0x1B0] =	vst v1;
	v56, _, _ =	vpop (xrf2)  }
0x7e: {  	[tilespmem:$0x1C0] =	vst v2;
	v1 =	vadd.f32 v55, v56  }
0x7f: {  	[tilespmem:$0x1D0] =	vst v0  }
0x80: {  	s28 =	simm.s32 $0x180;
	v59 =	vld [tilespmem:$0xE0];
	[tilespmem:$0x1E0] =	vst v1  }
0x81: {  	v1 =	vld.idx.msk [tilespmem:v57+s28+$0x0], $0xffff;
	_ =	sdelay $0x4  }
0x82: {  	v60 =	vimm.s32 $0x0;
	vm0 =	vlt.f32 v1, v59  }
0x83: {  	v61 =	vsel vm0, $0x40, v60  }
0x84: {  	v62 =	vor.u32 $0x1F, v61;
	_ =	sdelay $0x4  }
0x85: {  	v3 =	vld.idx.msk [tilespmem:v62+s28+$0x0], $0xffff;
	_ =	sdelay $0x4  }
0x86: {  	vm10 =	vlt.f32 v3, v59  }
0x87: {  	v3 =	vsel vm10, $0x20, v60  }
0x88: {  	v2 =	vor.u32 v61, v3  }
0x89: {  	v3 =	vor.u32 $0xF, v2;
	_ =	sdelay $0x4  }
0x8a: {  	v3 =	vld.idx.msk [tilespmem:v3+s28+$0x0], $0xffff;
	_ =	sdelay $0x4  }
0x8b: {  	vm11 =	vlt.f32 v3, v59  }
0x8c: {  	v3 =	vsel vm11, $0x10, v60  }
0x8d: {  	v2 =	vor.u32 v3, v2  }
0x8e: {  	v3 =	vor.u32 $0x7, v2;
	_ =	sdelay $0x4  }
0x8f: {  	v3 =	vld.idx.msk [tilespmem:v3+s28+$0x0], $0xffff;
	_ =	sdelay $0x4  }
0x90: {  	vm12 =	vlt.f32 v3, v59  }
0x91: {  	v3 =	vsel vm12, $0x8, v60  }
0x92: {  	v2 =	vor.u32 v3, v2  }
0x93: {  	v3 =	vor.u32 $0x3, v2;
	_ =	sdelay $0x4  }
0x94: {  	v3 =	vld.idx.msk [tilespmem:v3+s28+$0x0], $0xffff;
	_ =	sdelay $0x4  }
0x95: {  	vm13 =	vlt.f32 v3, v59  }
0x96: {  	v3 =	vsel vm13, $0x4, v60  }
0x97: {  	v2 =	vor.u32 v3, v2  }
0x98: {  	v3 =	vor.u32 $0x1, v2;
	_ =	sdelay $0x4  }
0x99: {  	v3 =	vld.idx.msk [tilespmem:v3+s28+$0x0], $0xffff;
	_ =	sdelay $0x4  }
0x9a: {  	vm14 =	vlt.f32 v3, v59  }
0x9b: {  	v3 =	vsel vm14, $0x2, v60  }
0x9c: {  	v2 =	vor.u32 v3, v2;
	_ =	sdelay $0x4  }
0x9d: {  	v3 =	vld.idx.msk [tilespmem:v2+s28+$0x0], $0xffff;
	_ =	sdelay $0x4  }
0x9e: {  	vm15 =	vlt.f32 v3, v59  }
0x9f: {  	v0 =	vsel vm15, $0x1, v60  }
0xa0: {  	v0 =	vor.u32 v0, v2  }
0xa1: {  	v0 =	vmin.u32 v0, $0x63;
	_ =	sdelay $0x3  }
0xa2: {  	s29 =	simm.s32 $0x100  }
0xa3: {  	v0 =	vld.idx.msk [tilespmem:v0+s29+$0x0], $0xffff;
	_ =	sdelay $0x4  }
0xa4: {  	v0 =	vmul.f32 $9.990000120e-01, v0;
	_ =	sdelay $0x1  }
0xa5: {  	v63 =	vimm.f32 $1.000000000e+00;
	v0 =	vadd.f32 $1.000000050e-03, v0  }
0xa6: {  	[tilespmem:$0x280] =	vst v63  }
0xa7: {  	s30 =	simm.s32 $0x200;
	s4 =	sadd.s32 s4, s6;
	[tilespmem:$0x200] =	vst v0  }
0xa8: {  	[hbm4b:s4+s2] =	stream.linear.scatter [tilespmem:s30], [sflag:$0x1], $0x10, $0x38;
	[tilespmem:$0x300] =	vst v63  }
0xa9: {  	_ =	swait.ge [sflag:s26], $0x10  }
0xaa: {  	[sflag:s26] =	ssyncset.done $0x0  }
0xab: {  	s31 =	simm.s32 $0x280;
	s3 =	sadd.s32 s3, s6;
	[sflag:s26] =	ssyncadd.s32 $0xFFFFFFF0  }
0xac: {  	[hbm4b:s3+s2] =	stream.linear.scatter [tilespmem:s31], [sflag:$0x1], $0x10, $0x38;
	[tilespmem:$0x300] =	vst v63  }
0xad: {  	_ =	swait.ge [sflag:s26], $0x10  }
0xae: {  	[sflag:s26] =	ssyncset.done $0x0  }
0xaf: {  	[sflag:s26] =	ssyncadd.s32 $0xFFFFFFF0  }
.LBB2_2:
0xb0: {  	_ =	sfence.sel $0x180000  }
0xb1: {  	[bflag:$0x0] =	sbarrier.arrive $0xFFFF  }
0xb2: {  	p0 =	sne.s32 s1, $0x0;
	_ =	strace $0x90000047  }
0xb3: {  	s0 =	sadd.s32 @!p0 $0x100000, s0;
	[bflag:$0x2] =	sbarrier.arrive $0xFFFF  }
0xb4: {  	[sflag:s0] =	ssyncadd.tile.s32 @!p0 $0x1;
	_ =	shalt  }
.Lfunc_end2:
_tile_overlayer_lowered:
.L_overlay_start_2:
0xb5: {  	(tag) =	ssettag $0x2  }
0xb6: {  	s0 =	rddreg [dreg:$0x0];
	s2 =	stileid.u32  }
0xb7: {  	s1 =	rddreg [dreg:$0x1];
	p0 =	sne.s32 s2, $0x0  }
0xb8: {  	s3 =	rddreg [dreg:$0x2];
	[bflag:$0x3] =	sbarrier.arrive $0xFFFF;
	s2 =	simm.s32 @!p0 $0x1C01  }
0xb9: {  	[timem:s3], [sflag:s2] =	dma.local @!p0 [hbm:s0], s1  }
0xba: {  	s0 =	simm.s32 @!p0 $0x1  }
0xbb: {  	_ =	swait.ge @!p0 [sflag:s0], s1  }
0xbc: {  	s1 =	ssub.s32 @!p0 $0x0, s1;
	[sflag:s0] =	ssyncset.done @!p0 $0x0  }
0xbd: {  	[sflag:s0] =	ssyncadd.s32 @!p0 s1  }
0xbe: {  	[bflag:$0x3] =	sbarrier.arrive $0xFFFF  }
0xbf: {  	_ =	shalt  }

</sc_bundles>
